<compile_context>
chip_gen: v7x
topology: tpu7x:2x2x1
jax: 0.10.2.dev20260603
libtpu: 0.0.44.dev20260713+nightly
codegen_flags: <defaults>
</compile_context>

<pallas_src>
import functools

import jax
import jax.numpy as jnp
from jax import lax
from jax.experimental import pallas as pl
from jax.experimental.pallas import tpu as pltpu
from jax.experimental.pallas import tpu_sc as plsc

VOCAB1 = 1001
D = 16
NCAT = 26
B = 16384

_NC = 2
_NS = 16
_NW = _NC * _NS
_BPW = B // _NW
_INV = 1.0 / (1.0 + 1e-6)


def _sc_body(item_id_hbm, cat_hbm, vn_hbm, cn_hbm, tn_hbm,
             table_hbm, w1_hbm,
             emb_out, add_out,
             idx_v, cat_v, vn_v, cn_v, tn_v, w_v,
             rows_v, rows2_v, table_s, w1_s,
             semi, semc, semv, semn, semt, semw, sem1, sem2, semo,
             sems1, sems2):
    sid = lax.axis_index("s")
    wid = sid * _NC + lax.axis_index("c")
    base = wid * _BPW
    cpi = pltpu.async_copy(item_id_hbm.at[pl.ds(base, _BPW)], idx_v, semi)
    cpc = pltpu.async_copy(cat_hbm.at[pl.ds(base, _BPW)], cat_v, semc)
    cpv = pltpu.async_copy(vn_hbm.at[pl.ds(base, _BPW)], vn_v, semv)
    cpn = pltpu.async_copy(cn_hbm.at[pl.ds(base, _BPW)], cn_v, semn)
    cpt = pltpu.async_copy(tn_hbm.at[pl.ds(base, _BPW)], tn_v, semt)
    cpw = pltpu.async_copy(w1_hbm.at[pl.ds(D + NCAT, 3)], w_v, semw)

    @pl.when(sid == 0)
    def _stage():
        cps1 = pltpu.async_copy(table_hbm, table_s, sems1)
        cps2 = pltpu.async_copy(w1_hbm.at[pl.ds(D, NCAT)], w1_s, sems2)
        cps1.wait()
        cps2.wait()

    plsc.subcore_barrier()

    cpi.wait()
    cp1 = pltpu.async_copy(table_s.at[idx_v], rows_v, sem1)

    cpc.wait()
    cp2 = pltpu.async_copy(w1_s.at[cat_v], rows2_v, sem2)

    cp1.wait()
    cpo = pltpu.async_copy(rows_v, emb_out.at[pl.ds(base, _BPW)], semo)

    cpv.wait()
    cpn.wait()
    cpt.wait()
    cpw.wait()
    cp2.wait()

    inv = jnp.float32(_INV)
    wv0 = w_v[0] * inv
    wv1 = w_v[1] * inv
    wv2 = w_v[2] * inv

    @plsc.parallel_loop(0, _BPW, unroll=16)
    def row_body(i):
        bidx = jnp.full((16,), i, jnp.int32)
        r = rows2_v[i] + wv0 * plsc.load_gather(vn_v, [bidx])
        r = r + wv1 * plsc.load_gather(cn_v, [bidx])
        r = r + wv2 * plsc.load_gather(tn_v, [bidx])
        rows2_v[i] = r

    cpa = pltpu.async_copy(rows2_v, add_out.at[pl.ds(base, _BPW)], semo)
    cpo.wait()
    cpa.wait()


@functools.lru_cache(maxsize=1)
def _get_sc_kernel():
    mesh = plsc.VectorSubcoreMesh(core_axis_name="c", subcore_axis_name="s")
    return pl.kernel(
        _sc_body,
        out_type=[jax.ShapeDtypeStruct((B, D), jnp.float32),
                  jax.ShapeDtypeStruct((B, D), jnp.float32)],
        mesh=mesh,
        scratch_types=[pltpu.VMEM((_BPW,), jnp.int32),
                       pltpu.VMEM((_BPW,), jnp.int32),
                       pltpu.VMEM((_BPW,), jnp.float32),
                       pltpu.VMEM((_BPW,), jnp.float32),
                       pltpu.VMEM((_BPW,), jnp.float32),
                       pltpu.VMEM((3, D), jnp.float32),
                       pltpu.VMEM((_BPW, D), jnp.float32),
                       pltpu.VMEM((_BPW, D), jnp.float32),
                       pltpu.VMEM_SHARED((VOCAB1, D), jnp.float32),
                       pltpu.VMEM_SHARED((NCAT, D), jnp.float32)]
                      + [pltpu.SemaphoreType.DMA] * 11,
        compiler_params=pltpu.CompilerParams(use_tc_tiling_on_sc=False,
                                             needs_layout_passes=False),
    )


_BP = B // 8


def _mlp_body(emb_ref, add_ref, w1_ref, b1_ref, w2_ref, b2_ref, out_ref):
    row128 = lax.broadcasted_iota(jnp.int32, (128, D), 0)
    col16 = lax.broadcasted_iota(jnp.int32, (128, D), 1)
    p = (col16 == lax.rem(row128, D)).astype(jnp.float32)
    blk_r = lax.div(lax.broadcasted_iota(jnp.int32, (128, 128), 0), D)
    blk_c = lax.div(lax.broadcasted_iota(jnp.int32, (128, 128), 1), D)
    bd_mask = (blk_r == blk_c)

    w1a_t = jnp.dot(jnp.dot(p, w1_ref[:D, :],
                            preferred_element_type=jnp.float32), p.T,
                    preferred_element_type=jnp.float32)
    w1a_big = jnp.where(bd_mask, w1a_t, jnp.float32(0.0))
    w2_t = jnp.dot(jnp.dot(p, w2_ref[:], preferred_element_type=jnp.float32),
                   p.T, preferred_element_type=jnp.float32)
    w2_big = jnp.where(bd_mask, w2_t, jnp.float32(0.0))
    b1_big = jnp.dot(b1_ref[:].reshape(1, D), p.T,
                     preferred_element_type=jnp.float32)
    b2_big = jnp.dot(b2_ref[:].reshape(1, D), p.T,
                     preferred_element_type=jnp.float32)

    acc = jnp.dot(emb_ref[:], w1a_big, preferred_element_type=jnp.float32)
    acc = acc + add_ref[:] + b1_big
    h = jnp.maximum(acc, jnp.float32(0.0))
    out_ref[:] = (jnp.dot(h, w2_big, preferred_element_type=jnp.float32)
                  + b2_big)


_mlp_grid_spec = dict(
    grid=(1,),
    in_specs=[
        pl.BlockSpec((_BP, 128), lambda i: (0, 0)),
        pl.BlockSpec((_BP, 128), lambda i: (0, 0)),
        pl.BlockSpec((D + NCAT + 3, D), lambda i: (0, 0)),
        pl.BlockSpec((D,), lambda i: (0,)),
        pl.BlockSpec((D, D), lambda i: (0, 0)),
        pl.BlockSpec((D,), lambda i: (0,)),
    ],
    out_specs=pl.BlockSpec((_BP, 128), lambda i: (0, 0)),
    out_shape=jax.ShapeDtypeStruct((_BP, 128), jnp.float32),
)

_mlp = pl.pallas_call(_mlp_body, **_mlp_grid_spec)


def kernel(item_id, category, view_count, click_count, title_length,
           item_table, W1, b1, W2, b2):
    emb, addrow = _get_sc_kernel()(
        item_id.astype(jnp.int32), category.astype(jnp.int32),
        view_count, click_count, title_length, item_table, W1)
    out_p = _mlp(emb.reshape(_BP, 128), addrow.reshape(_BP, 128), W1, b1,
                 W2, b2)
    return out_p.reshape(B, D)

# --- scband reference (transcript-rebuilt; emitter-appended) ---
"""Pipeline reference for scband-item-tower-12240656794242 (READ-ONLY COPY).

The authoritative reference and input builder live on the scoring server;
editing this copy changes nothing except your own understanding.
"""

import jax, jax.numpy as jnp
import numpy as np

VOCAB = 1000
DIM = 16
NCAT = 26
BATCH = 16384


def setup_inputs(seed: int = 0):
    key = jax.random.key(seed)
    ks = jax.random.split(key, 8)
    item_id = jax.random.randint(ks[0], (BATCH,), 0, VOCAB)
    category = jax.random.randint(ks[1], (BATCH,), 0, NCAT)
    view_count = jax.random.uniform(ks[2], (BATCH,), dtype=jnp.float32)
    click_count = jax.random.uniform(ks[3], (BATCH,), dtype=jnp.float32)
    title_length = jax.random.uniform(ks[4], (BATCH,), dtype=jnp.float32)
    item_table = jax.random.normal(ks[5], (VOCAB + 1, DIM), dtype=jnp.float32)
    in_dim = DIM + NCAT + 3
    W1 = jax.random.normal(ks[6], (in_dim, DIM), dtype=jnp.float32) / np.sqrt(in_dim)
    b1 = jnp.zeros((DIM,), dtype=jnp.float32)
    W2 = jax.random.normal(ks[7], (DIM, DIM), dtype=jnp.float32) / np.sqrt(DIM)
    b2 = jnp.zeros((DIM,), dtype=jnp.float32)
    return {'item_id': item_id, 'category': category, 'view_count': view_count,
            'click_count': click_count, 'title_length': title_length,
            'item_table': item_table, 'W1': W1, 'b1': b1, 'W2': W2, 'b2': b2}


def reference(item_id, category, view_count, click_count, title_length,
              item_table, W1, b1, W2, b2):
    # item_id_to_index dict lookup == identity mapping here; OOV maps to row VOCAB
    item_embeddings = jnp.take(item_table, item_id, axis=0)
    views_mean = jnp.float32(0.0); views_std = jnp.float32(1.0)
    clicks_mean = jnp.float32(0.0); clicks_std = jnp.float32(1.0)
    tl_mean = jnp.float32(0.0); tl_std = jnp.float32(1.0)
    vn = (view_count[:, None] - views_mean) / (views_std + 1e-06)
    cn = (click_count[:, None] - clicks_mean) / (clicks_std + 1e-06)
    tn = (title_length[:, None] - tl_mean) / (tl_std + 1e-06)
    category_one_hot = jax.nn.one_hot(category, NCAT, dtype=jnp.float32)
    x = jnp.concatenate([item_embeddings, category_one_hot, vn, cn, tn], axis=1)
    h = jax.nn.relu(x @ W1 + b1)
    out = h @ W2 + b2
    return out

if __name__ == "__main__":
    import jax
    _d = setup_inputs()
    print(jax.jit(kernel)(*tuple(_d.values())))

</pallas_src>

<mosaic_0001>
#map = affine_map<(d0, d1) -> (0)>
#map1 = affine_map<(d0, d1) -> (0, 0)>
module attributes {stable_mosaic.version = 14 : i64} {
  func.func @_sc_body(%arg0: i32, %arg1: i32, %arg2: memref<16384xi32, #tpu.memory_space<hbm>>, %arg3: memref<16384xi32, #tpu.memory_space<hbm>>, %arg4: memref<16384xf32, #tpu.memory_space<hbm>>, %arg5: memref<16384xf32, #tpu.memory_space<hbm>>, %arg6: memref<16384xf32, #tpu.memory_space<hbm>>, %arg7: memref<1001x16xf32, #tpu.memory_space<hbm>>, %arg8: memref<45x16xf32, #tpu.memory_space<hbm>>, %arg9: memref<16384x16xf32, #tpu.memory_space<hbm>>, %arg10: memref<16384x16xf32, #tpu.memory_space<hbm>>, %arg11: memref<512xi32, #tpu.memory_space<vmem>>, %arg12: memref<512xi32, #tpu.memory_space<vmem>>, %arg13: memref<512xf32, #tpu.memory_space<vmem>>, %arg14: memref<512xf32, #tpu.memory_space<vmem>>, %arg15: memref<512xf32, #tpu.memory_space<vmem>>, %arg16: memref<3x16xf32, #tpu.memory_space<vmem>>, %arg17: memref<512x16xf32, #tpu.memory_space<vmem>>, %arg18: memref<512x16xf32, #tpu.memory_space<vmem>>, %arg19: memref<1001x16xf32, #tpu.memory_space<vmem_shared>>, %arg20: memref<26x16xf32, #tpu.memory_space<vmem_shared>>, %arg21: memref<!tpu.dma_semaphore, #tpu.memory_space<semaphore_mem>>, %arg22: memref<!tpu.dma_semaphore, #tpu.memory_space<semaphore_mem>>, %arg23: memref<!tpu.dma_semaphore, #tpu.memory_space<semaphore_mem>>, %arg24: memref<!tpu.dma_semaphore, #tpu.memory_space<semaphore_mem>>, %arg25: memref<!tpu.dma_semaphore, #tpu.memory_space<semaphore_mem>>, %arg26: memref<!tpu.dma_semaphore, #tpu.memory_space<semaphore_mem>>, %arg27: memref<!tpu.dma_semaphore, #tpu.memory_space<semaphore_mem>>, %arg28: memref<!tpu.dma_semaphore, #tpu.memory_space<semaphore_mem>>, %arg29: memref<!tpu.dma_semaphore, #tpu.memory_space<semaphore_mem>>, %arg30: memref<!tpu.dma_semaphore, #tpu.memory_space<semaphore_mem>>, %arg31: memref<!tpu.dma_semaphore, #tpu.memory_space<semaphore_mem>>) attributes {dimension_semantics = [#tpu.dimension_semantics<core_parallel>, #tpu.dimension_semantics<subcore_parallel>], iteration_bounds = array<i64: 2, 16>, scalar_prefetch = 0 : i64, scratch_operands = 21 : i64, tpu.core_type = #tpu.core_type<sc_vector_subcore>, window_params = [{transform_indices = #map}, {transform_indices = #map}, {transform_indices = #map}, {transform_indices = #map}, {transform_indices = #map}, {transform_indices = #map1}, {transform_indices = #map1}, {transform_indices = #map1}, {transform_indices = #map1}]} {
    %mul3A = arith.constant 2 : i32
    %mul3A_0 = arith.muli %arg1, %mul3A : i32
    %add3A = arith.addi %mul3A_0, %arg0 : i32
    %mul3A_1 = arith.constant 512 : i32
    %mul3A_2 = arith.muli %add3A, %mul3A_1 : i32
    %dma_start3A = tpu.memref_slice %arg2[%mul3A_2] : memref<16384xi32, #tpu.memory_space<hbm>> -> memref<512xi32, #tpu.memory_space<hbm>>
    %dma_start3A_3 = tpu.memref_slice %arg2[%mul3A_2] : memref<16384xi32, #tpu.memory_space<hbm>> -> memref<512xi32, #tpu.memory_space<hbm>>
    tpu.enqueue_dma source(%dma_start3A_3 : memref<512xi32, #tpu.memory_space<hbm>>) target(%arg11 : memref<512xi32, #tpu.memory_space<vmem>>) target_semaphore(%arg21 : memref<!tpu.dma_semaphore, #tpu.memory_space<semaphore_mem>>)
    %dma_start3A_4 = tpu.memref_slice %arg3[%mul3A_2] : memref<16384xi32, #tpu.memory_space<hbm>> -> memref<512xi32, #tpu.memory_space<hbm>>
    %dma_start3A_5 = tpu.memref_slice %arg3[%mul3A_2] : memref<16384xi32, #tpu.memory_space<hbm>> -> memref<512xi32, #tpu.memory_space<hbm>>
    tpu.enqueue_dma source(%dma_start3A_5 : memref<512xi32, #tpu.memory_space<hbm>>) target(%arg12 : memref<512xi32, #tpu.memory_space<vmem>>) target_semaphore(%arg22 : memref<!tpu.dma_semaphore, #tpu.memory_space<semaphore_mem>>)
    %dma_start3A_6 = tpu.memref_slice %arg4[%mul3A_2] : memref<16384xf32, #tpu.memory_space<hbm>> -> memref<512xf32, #tpu.memory_space<hbm>>
    %dma_start3A_7 = tpu.memref_slice %arg4[%mul3A_2] : memref<16384xf32, #tpu.memory_space<hbm>> -> memref<512xf32, #tpu.memory_space<hbm>>
    tpu.enqueue_dma source(%dma_start3A_7 : memref<512xf32, #tpu.memory_space<hbm>>) target(%arg13 : memref<512xf32, #tpu.memory_space<vmem>>) target_semaphore(%arg23 : memref<!tpu.dma_semaphore, #tpu.memory_space<semaphore_mem>>)
    %dma_start3A_8 = tpu.memref_slice %arg5[%mul3A_2] : memref<16384xf32, #tpu.memory_space<hbm>> -> memref<512xf32, #tpu.memory_space<hbm>>
    %dma_start3A_9 = tpu.memref_slice %arg5[%mul3A_2] : memref<16384xf32, #tpu.memory_space<hbm>> -> memref<512xf32, #tpu.memory_space<hbm>>
    tpu.enqueue_dma source(%dma_start3A_9 : memref<512xf32, #tpu.memory_space<hbm>>) target(%arg14 : memref<512xf32, #tpu.memory_space<vmem>>) target_semaphore(%arg24 : memref<!tpu.dma_semaphore, #tpu.memory_space<semaphore_mem>>)
    %dma_start3A_10 = tpu.memref_slice %arg6[%mul3A_2] : memref<16384xf32, #tpu.memory_space<hbm>> -> memref<512xf32, #tpu.memory_space<hbm>>
    %dma_start3A_11 = tpu.memref_slice %arg6[%mul3A_2] : memref<16384xf32, #tpu.memory_space<hbm>> -> memref<512xf32, #tpu.memory_space<hbm>>
    tpu.enqueue_dma source(%dma_start3A_11 : memref<512xf32, #tpu.memory_space<hbm>>) target(%arg15 : memref<512xf32, #tpu.memory_space<vmem>>) target_semaphore(%arg25 : memref<!tpu.dma_semaphore, #tpu.memory_space<semaphore_mem>>)
    %dma_start3A_12 = arith.constant 42 : i32
    %dma_start3A_13 = arith.constant 0 : i32
    %dma_start3A_14 = tpu.memref_slice %arg8[%dma_start3A_12, %dma_start3A_13] : memref<45x16xf32, #tpu.memory_space<hbm>> -> memref<3x16xf32, #tpu.memory_space<hbm>>
    %dma_start3A_15 = arith.constant 42 : i32
    %dma_start3A_16 = arith.constant 0 : i32
    %dma_start3A_17 = tpu.memref_slice %arg8[%dma_start3A_15, %dma_start3A_16] : memref<45x16xf32, #tpu.memory_space<hbm>> -> memref<3x16xf32, #tpu.memory_space<hbm>>
    tpu.enqueue_dma source(%dma_start3A_17 : memref<3x16xf32, #tpu.memory_space<hbm>>) target(%arg16 : memref<3x16xf32, #tpu.memory_space<vmem>>) target_semaphore(%arg26 : memref<!tpu.dma_semaphore, #tpu.memory_space<semaphore_mem>>)
    %eq3A = arith.constant 0 : i32
    %eq3A_18 = arith.cmpi eq, %arg1, %eq3A : i32
    %convert_element_type3A = arith.extui %eq3A_18 : i1 to i32
    %cond3A = arith.constant 0 : i32
    %cond3A_19 = arith.cmpi ne, %convert_element_type3A, %cond3A : i32
    scf.if %cond3A_19 {
      tpu.enqueue_dma source(%arg7 : memref<1001x16xf32, #tpu.memory_space<hbm>>) target(%arg19 : memref<1001x16xf32, #tpu.memory_space<vmem_shared>>) target_semaphore(%arg30 : memref<!tpu.dma_semaphore, #tpu.memory_space<semaphore_mem>>)
      %dma_start3A_85 = arith.constant 16 : i32
      %dma_start3A_86 = arith.constant 0 : i32
      %dma_start3A_87 = tpu.memref_slice %arg8[%dma_start3A_85, %dma_start3A_86] : memref<45x16xf32, #tpu.memory_space<hbm>> -> memref<26x16xf32, #tpu.memory_space<hbm>>
      tpu.enqueue_dma source(%dma_start3A_87 : memref<26x16xf32, #tpu.memory_space<hbm>>) target(%arg20 : memref<26x16xf32, #tpu.memory_space<vmem_shared>>) target_semaphore(%arg31 : memref<!tpu.dma_semaphore, #tpu.memory_space<semaphore_mem>>)
      tpu.wait_dma2 semaphore(%arg30 : memref<!tpu.dma_semaphore, #tpu.memory_space<semaphore_mem>>) src(%arg7 : memref<1001x16xf32, #tpu.memory_space<hbm>>) dst(%arg19 : memref<1001x16xf32, #tpu.memory_space<vmem_shared>>)
      %dma_wait3A_88 = arith.constant 16 : i32
      %dma_wait3A_89 = arith.constant 0 : i32
      %dma_wait3A_90 = tpu.memref_slice %arg8[%dma_wait3A_88, %dma_wait3A_89] : memref<45x16xf32, #tpu.memory_space<hbm>> -> memref<26x16xf32, #tpu.memory_space<hbm>>
      tpu.wait_dma2 semaphore(%arg31 : memref<!tpu.dma_semaphore, #tpu.memory_space<semaphore_mem>>) src(%dma_wait3A_90 : memref<26x16xf32, #tpu.memory_space<hbm>>) dst(%arg20 : memref<26x16xf32, #tpu.memory_space<vmem_shared>>)
    } else {
    }
    %barrier3A = arith.constant 0 : index
    tpu.barrier barrier_id(%barrier3A)
    %dma_wait3A = tpu.memref_slice %arg2[%mul3A_2] : memref<16384xi32, #tpu.memory_space<hbm>> -> memref<512xi32, #tpu.memory_space<hbm>>
    %dma_wait3A_20 = tpu.memref_slice %arg2[%mul3A_2] : memref<16384xi32, #tpu.memory_space<hbm>> -> memref<512xi32, #tpu.memory_space<hbm>>
    tpu.wait_dma2 semaphore(%arg21 : memref<!tpu.dma_semaphore, #tpu.memory_space<semaphore_mem>>) src(%dma_wait3A_20 : memref<512xi32, #tpu.memory_space<hbm>>) dst(%arg11 : memref<512xi32, #tpu.memory_space<vmem>>)
    %dma_start3A_21 = arith.constant 0 : i32
    %dma_start3A_22 = arith.constant 0 : i32
    %dma_start3A_23 = tpu.memref_slice %arg19[%dma_start3A_21, %dma_start3A_22] : memref<1001x16xf32, #tpu.memory_space<vmem_shared>> -> memref<1001x16xf32, #tpu.memory_space<vmem_shared>>
    tpu.enqueue_indirect_dma source(%dma_start3A_23 : memref<1001x16xf32, #tpu.memory_space<vmem_shared>>) target(%arg17 : memref<512x16xf32, #tpu.memory_space<vmem>>) offsets(%arg11 : memref<512xi32, #tpu.memory_space<vmem>>) semaphore(%arg27 : memref<!tpu.dma_semaphore, #tpu.memory_space<semaphore_mem>>)
    %dma_wait3A_24 = tpu.memref_slice %arg3[%mul3A_2] : memref<16384xi32, #tpu.memory_space<hbm>> -> memref<512xi32, #tpu.memory_space<hbm>>
    %dma_wait3A_25 = tpu.memref_slice %arg3[%mul3A_2] : memref<16384xi32, #tpu.memory_space<hbm>> -> memref<512xi32, #tpu.memory_space<hbm>>
    tpu.wait_dma2 semaphore(%arg22 : memref<!tpu.dma_semaphore, #tpu.memory_space<semaphore_mem>>) src(%dma_wait3A_25 : memref<512xi32, #tpu.memory_space<hbm>>) dst(%arg12 : memref<512xi32, #tpu.memory_space<vmem>>)
    %dma_start3A_26 = arith.constant 0 : i32
    %dma_start3A_27 = arith.constant 0 : i32
    %dma_start3A_28 = tpu.memref_slice %arg20[%dma_start3A_26, %dma_start3A_27] : memref<26x16xf32, #tpu.memory_space<vmem_shared>> -> memref<26x16xf32, #tpu.memory_space<vmem_shared>>
    tpu.enqueue_indirect_dma source(%dma_start3A_28 : memref<26x16xf32, #tpu.memory_space<vmem_shared>>) target(%arg18 : memref<512x16xf32, #tpu.memory_space<vmem>>) offsets(%arg12 : memref<512xi32, #tpu.memory_space<vmem>>) semaphore(%arg28 : memref<!tpu.dma_semaphore, #tpu.memory_space<semaphore_mem>>)
    %dma_wait3A_29 = arith.constant 0 : i32
    %dma_wait3A_30 = arith.constant 0 : i32
    %dma_wait3A_31 = tpu.memref_slice %arg19[%dma_wait3A_29, %dma_wait3A_30] : memref<1001x16xf32, #tpu.memory_space<vmem_shared>> -> memref<1001x16xf32, #tpu.memory_space<vmem_shared>>
    tpu.wait_indirect_dma semaphore(%arg27 : memref<!tpu.dma_semaphore, #tpu.memory_space<semaphore_mem>>) src(%dma_wait3A_31 : memref<1001x16xf32, #tpu.memory_space<vmem_shared>>) dst(%arg17 : memref<512x16xf32, #tpu.memory_space<vmem>>)
    %dma_start3A_32 = arith.constant 0 : i32
    %dma_start3A_33 = tpu.memref_slice %arg9[%mul3A_2, %dma_start3A_32] : memref<16384x16xf32, #tpu.memory_space<hbm>> -> memref<512x16xf32, #tpu.memory_space<hbm>>
    %dma_start3A_34 = arith.constant 0 : i32
    %dma_start3A_35 = tpu.memref_slice %arg9[%mul3A_2, %dma_start3A_34] : memref<16384x16xf32, #tpu.memory_space<hbm>> -> memref<512x16xf32, #tpu.memory_space<hbm>>
    tpu.enqueue_dma source(%arg17 : memref<512x16xf32, #tpu.memory_space<vmem>>) target(%dma_start3A_35 : memref<512x16xf32, #tpu.memory_space<hbm>>) target_semaphore(%arg29 : memref<!tpu.dma_semaphore, #tpu.memory_space<semaphore_mem>>)
    %dma_wait3A_36 = tpu.memref_slice %arg4[%mul3A_2] : memref<16384xf32, #tpu.memory_space<hbm>> -> memref<512xf32, #tpu.memory_space<hbm>>
    %dma_wait3A_37 = tpu.memref_slice %arg4[%mul3A_2] : memref<16384xf32, #tpu.memory_space<hbm>> -> memref<512xf32, #tpu.memory_space<hbm>>
    tpu.wait_dma2 semaphore(%arg23 : memref<!tpu.dma_semaphore, #tpu.memory_space<semaphore_mem>>) src(%dma_wait3A_37 : memref<512xf32, #tpu.memory_space<hbm>>) dst(%arg13 : memref<512xf32, #tpu.memory_space<vmem>>)
    %dma_wait3A_38 = tpu.memref_slice %arg5[%mul3A_2] : memref<16384xf32, #tpu.memory_space<hbm>> -> memref<512xf32, #tpu.memory_space<hbm>>
    %dma_wait3A_39 = tpu.memref_slice %arg5[%mul3A_2] : memref<16384xf32, #tpu.memory_space<hbm>> -> memref<512xf32, #tpu.memory_space<hbm>>
    tpu.wait_dma2 semaphore(%arg24 : memref<!tpu.dma_semaphore, #tpu.memory_space<semaphore_mem>>) src(%dma_wait3A_39 : memref<512xf32, #tpu.memory_space<hbm>>) dst(%arg14 : memref<512xf32, #tpu.memory_space<vmem>>)
    %dma_wait3A_40 = tpu.memref_slice %arg6[%mul3A_2] : memref<16384xf32, #tpu.memory_space<hbm>> -> memref<512xf32, #tpu.memory_space<hbm>>
    %dma_wait3A_41 = tpu.memref_slice %arg6[%mul3A_2] : memref<16384xf32, #tpu.memory_space<hbm>> -> memref<512xf32, #tpu.memory_space<hbm>>
    tpu.wait_dma2 semaphore(%arg25 : memref<!tpu.dma_semaphore, #tpu.memory_space<semaphore_mem>>) src(%dma_wait3A_41 : memref<512xf32, #tpu.memory_space<hbm>>) dst(%arg15 : memref<512xf32, #tpu.memory_space<vmem>>)
    %dma_wait3A_42 = arith.constant 42 : i32
    %dma_wait3A_43 = arith.constant 0 : i32
    %dma_wait3A_44 = tpu.memref_slice %arg8[%dma_wait3A_42, %dma_wait3A_43] : memref<45x16xf32, #tpu.memory_space<hbm>> -> memref<3x16xf32, #tpu.memory_space<hbm>>
    %dma_wait3A_45 = arith.constant 42 : i32
    %dma_wait3A_46 = arith.constant 0 : i32
    %dma_wait3A_47 = tpu.memref_slice %arg8[%dma_wait3A_45, %dma_wait3A_46] : memref<45x16xf32, #tpu.memory_space<hbm>> -> memref<3x16xf32, #tpu.memory_space<hbm>>
    tpu.wait_dma2 semaphore(%arg26 : memref<!tpu.dma_semaphore, #tpu.memory_space<semaphore_mem>>) src(%dma_wait3A_47 : memref<3x16xf32, #tpu.memory_space<hbm>>) dst(%arg16 : memref<3x16xf32, #tpu.memory_space<vmem>>)
    %dma_wait3A_48 = arith.constant 0 : i32
    %dma_wait3A_49 = arith.constant 0 : i32
    %dma_wait3A_50 = tpu.memref_slice %arg20[%dma_wait3A_48, %dma_wait3A_49] : memref<26x16xf32, #tpu.memory_space<vmem_shared>> -> memref<26x16xf32, #tpu.memory_space<vmem_shared>>
    tpu.wait_indirect_dma semaphore(%arg28 : memref<!tpu.dma_semaphore, #tpu.memory_space<semaphore_mem>>) src(%dma_wait3A_50 : memref<26x16xf32, #tpu.memory_space<vmem_shared>>) dst(%arg18 : memref<512x16xf32, #tpu.memory_space<vmem>>)
    %get3A = arith.constant 0 : i32
    %get3A_51 = arith.index_cast %get3A : i32 to index
    %get3A_52 = arith.constant 0 : index
    %get3A_53 = tpu.vector_load %arg16[%get3A_51, %get3A_52] {strides = array<i32>} : memref<3x16xf32, #tpu.memory_space<vmem>>, vector<16xf32>,
    %mul3A_54 = arith.constant 0.999998986 : f32
    %mul3A_55 = vector.broadcast %mul3A_54 : f32 to vector<16xf32>
    %mul3A_56 = arith.mulf %get3A_53, %mul3A_55 : vector<16xf32>
    %get3A_57 = arith.constant 1 : i32
    %get3A_58 = arith.index_cast %get3A_57 : i32 to index
    %get3A_59 = arith.constant 0 : index
    %get3A_60 = tpu.vector_load %arg16[%get3A_58, %get3A_59] {strides = array<i32>} : memref<3x16xf32, #tpu.memory_space<vmem>>, vector<16xf32>,
    %mul3A_61 = arith.constant 0.999998986 : f32
    %mul3A_62 = vector.broadcast %mul3A_61 : f32 to vector<16xf32>
    %mul3A_63 = arith.mulf %get3A_60, %mul3A_62 : vector<16xf32>
    %get3A_64 = arith.constant 2 : i32
    %get3A_65 = arith.index_cast %get3A_64 : i32 to index
    %get3A_66 = arith.constant 0 : index
    %get3A_67 = tpu.vector_load %arg16[%get3A_65, %get3A_66] {strides = array<i32>} : memref<3x16xf32, #tpu.memory_space<vmem>>, vector<16xf32>,
    %mul3A_68 = arith.constant 0.999998986 : f32
    %mul3A_69 = vector.broadcast %mul3A_68 : f32 to vector<16xf32>
    %mul3A_70 = arith.mulf %get3A_67, %mul3A_69 : vector<16xf32>
    %parallel_loop3A = arith.constant 0 : i32
    %parallel_loop3A_71 = arith.constant 512 : i32
    %parallel_loop3A_72 = arith.constant 1 : i32
    scf.for %parallel_loop3A_85 = %parallel_loop3A to %parallel_loop3A_71 step %parallel_loop3A_72  : i32 {
      %parallel_loop3A_86 = vector.broadcast %parallel_loop3A_85 : i32 to vector<16xi32>
      %parallel_loop3A_87 = arith.index_cast %parallel_loop3A_85 : i32 to index
      %parallel_loop3A_88 = arith.constant 0 : index
      %parallel_loop3A_89 = tpu.vector_load %arg18[%parallel_loop3A_87, %parallel_loop3A_88] {strides = array<i32>} : memref<512x16xf32, #tpu.memory_space<vmem>>, vector<16xf32>,
      %parallel_loop3A_90 = tpu.vector_load_idx %arg13[%parallel_loop3A_86] : memref<512xf32, #tpu.memory_space<vmem>>[vector<16xi32>], vector<16xf32>,
      %parallel_loop3A_91 = arith.mulf %mul3A_56, %parallel_loop3A_90 : vector<16xf32>
      %parallel_loop3A_92 = arith.addf %parallel_loop3A_89, %parallel_loop3A_91 : vector<16xf32>
      %parallel_loop3A_93 = tpu.vector_load_idx %arg14[%parallel_loop3A_86] : memref<512xf32, #tpu.memory_space<vmem>>[vector<16xi32>], vector<16xf32>,
      %parallel_loop3A_94 = arith.mulf %mul3A_63, %parallel_loop3A_93 : vector<16xf32>
      %parallel_loop3A_95 = arith.addf %parallel_loop3A_92, %parallel_loop3A_94 : vector<16xf32>
      %parallel_loop3A_96 = tpu.vector_load_idx %arg15[%parallel_loop3A_86] : memref<512xf32, #tpu.memory_space<vmem>>[vector<16xi32>], vector<16xf32>,
      %parallel_loop3A_97 = arith.mulf %mul3A_70, %parallel_loop3A_96 : vector<16xf32>
      %parallel_loop3A_98 = arith.addf %parallel_loop3A_95, %parallel_loop3A_97 : vector<16xf32>
      %parallel_loop3A_99 = arith.index_cast %parallel_loop3A_85 : i32 to index
      %parallel_loop3A_100 = arith.constant 0 : index
      %parallel_loop3A_101 = tpu.vector_load %arg18[%parallel_loop3A_99, %parallel_loop3A_100] {strides = array<i32>} : memref<512x16xf32, #tpu.memory_space<vmem>>, vector<16xf32>,
      tpu.vector_store %arg18[%parallel_loop3A_99, %parallel_loop3A_100], %parallel_loop3A_98 {strides = array<i32>} : memref<512x16xf32, #tpu.memory_space<vmem>>, vector<16xf32>,
    } {sc.loop_unroll_factor = 16 : i64, sc.parallel_access}
    %dma_start3A_73 = arith.constant 0 : i32
    %dma_start3A_74 = tpu.memref_slice %arg10[%mul3A_2, %dma_start3A_73] : memref<16384x16xf32, #tpu.memory_space<hbm>> -> memref<512x16xf32, #tpu.memory_space<hbm>>
    %dma_start3A_75 = arith.constant 0 : i32
    %dma_start3A_76 = tpu.memref_slice %arg10[%mul3A_2, %dma_start3A_75] : memref<16384x16xf32, #tpu.memory_space<hbm>> -> memref<512x16xf32, #tpu.memory_space<hbm>>
    tpu.enqueue_dma source(%arg18 : memref<512x16xf32, #tpu.memory_space<vmem>>) target(%dma_start3A_76 : memref<512x16xf32, #tpu.memory_space<hbm>>) target_semaphore(%arg29 : memref<!tpu.dma_semaphore, #tpu.memory_space<semaphore_mem>>)
    %dma_wait3A_77 = arith.constant 0 : i32
    %dma_wait3A_78 = tpu.memref_slice %arg9[%mul3A_2, %dma_wait3A_77] : memref<16384x16xf32, #tpu.memory_space<hbm>> -> memref<512x16xf32, #tpu.memory_space<hbm>>
    %dma_wait3A_79 = arith.constant 0 : i32
    %dma_wait3A_80 = tpu.memref_slice %arg9[%mul3A_2, %dma_wait3A_79] : memref<16384x16xf32, #tpu.memory_space<hbm>> -> memref<512x16xf32, #tpu.memory_space<hbm>>
    tpu.wait_dma2 semaphore(%arg29 : memref<!tpu.dma_semaphore, #tpu.memory_space<semaphore_mem>>) src(%arg17 : memref<512x16xf32, #tpu.memory_space<vmem>>) dst(%dma_wait3A_80 : memref<512x16xf32, #tpu.memory_space<hbm>>)
    %dma_wait3A_81 = arith.constant 0 : i32
    %dma_wait3A_82 = tpu.memref_slice %arg10[%mul3A_2, %dma_wait3A_81] : memref<16384x16xf32, #tpu.memory_space<hbm>> -> memref<512x16xf32, #tpu.memory_space<hbm>>
    %dma_wait3A_83 = arith.constant 0 : i32
    %dma_wait3A_84 = tpu.memref_slice %arg10[%mul3A_2, %dma_wait3A_83] : memref<16384x16xf32, #tpu.memory_space<hbm>> -> memref<512x16xf32, #tpu.memory_space<hbm>>
    tpu.wait_dma2 semaphore(%arg29 : memref<!tpu.dma_semaphore, #tpu.memory_space<semaphore_mem>>) src(%arg18 : memref<512x16xf32, #tpu.memory_space<vmem>>) dst(%dma_wait3A_84 : memref<512x16xf32, #tpu.memory_space<hbm>>)
    return
  }
}

module attributes {stable_mosaic.version = 14 : i64} {
  func.func @_mlp_body(%arg0: i32, %arg1: memref<2048x128xf32, #tpu.memory_space<vmem>>, %arg2: memref<2048x128xf32, #tpu.memory_space<vmem>>, %arg3: memref<45x16xf32, #tpu.memory_space<vmem>>, %arg4: memref<16xf32, #tpu.memory_space<vmem>>, %arg5: memref<16x16xf32, #tpu.memory_space<vmem>>, %arg6: memref<16xf32, #tpu.memory_space<vmem>>, %arg7: memref<2048x128xf32, #tpu.memory_space<vmem>>) attributes {dimension_semantics = [#tpu.dimension_semantics<arbitrary>], iteration_bounds = array<i64: 1>, scalar_prefetch = 0 : i64, scratch_operands = 0 : i64, tpu.core_type = #tpu.core_type<tc>, window_params = [{pipeline_mode = #tpu.pipeline_mode<synchronous>, transform_indices = @transform_0, window_bounds = array<i64: 2048, 128>}, {pipeline_mode = #tpu.pipeline_mode<synchronous>, transform_indices = @transform_1, window_bounds = array<i64: 2048, 128>}, {pipeline_mode = #tpu.pipeline_mode<synchronous>, transform_indices = @transform_2, window_bounds = array<i64: 45, 16>}, {pipeline_mode = #tpu.pipeline_mode<synchronous>, transform_indices = @transform_3, window_bounds = array<i64: 16>}, {pipeline_mode = #tpu.pipeline_mode<synchronous>, transform_indices = @transform_4, window_bounds = array<i64: 16, 16>}, {pipeline_mode = #tpu.pipeline_mode<synchronous>, transform_indices = @transform_5, window_bounds = array<i64: 16>}, {pipeline_mode = #tpu.pipeline_mode<synchronous>, transform_indices = @transform_6, window_bounds = array<i64: 2048, 128>}]} {
    %iota3A = tpu.iota {dimensions = array<i32: 0>} : vector<128x16xi32>
    %iota3A_0 = tpu.iota {dimensions = array<i32: 1>} : vector<128x16xi32>
    %rem3A = arith.constant 16 : i32
    %rem3A_1 = vector.broadcast %rem3A : i32 to vector<128x16xi32>
    %rem3A_2 = arith.remsi %iota3A, %rem3A_1 : vector<128x16xi32>
    %eq3A = arith.cmpi eq, %iota3A_0, %rem3A_2 : vector<128x16xi32>
    %convert_element_type3A = arith.extui %eq3A : vector<128x16xi1> to vector<128x16xi32>
    %convert_element_type3A_3 = arith.sitofp %convert_element_type3A : vector<128x16xi32> to vector<128x16xf32>
    %iota3A_4 = tpu.iota {dimensions = array<i32: 0>} : vector<128x128xi32>
    %div3A = arith.constant 16 : i32
    %div3A_5 = vector.broadcast %div3A : i32 to vector<128x128xi32>
    %div3A_6 = arith.divsi %iota3A_4, %div3A_5 : vector<128x128xi32>
    %iota3A_7 = tpu.iota {dimensions = array<i32: 1>} : vector<128x128xi32>
    %div3A_8 = arith.constant 16 : i32
    %div3A_9 = vector.broadcast %div3A_8 : i32 to vector<128x128xi32>
    %div3A_10 = arith.divsi %iota3A_7, %div3A_9 : vector<128x128xi32>
    %eq3A_11 = arith.cmpi eq, %div3A_6, %div3A_10 : vector<128x128xi32>
    %get3A = arith.constant 0 : index
    %get3A_12 = arith.constant 0 : index
    %get3A_13 = vector.load %arg3[%get3A, %get3A_12] : memref<45x16xf32, #tpu.memory_space<vmem>>, vector<16x16xf32>
    %dot_general3A = arith.constant dense<0.000000e+00> : vector<128x16xf32>
    %dot_general3A_14 = tpu.matmul %convert_element_type3A_3, %get3A_13, %dot_general3A {dimension_numbers = #tpu.dot_dimension_numbers<[1], [0], [0], [1], [0, 0, 1, 1], [], []>, transpose_lhs_hint = false} : vector<128x16xf32>, vector<16x16xf32>, vector<128x16xf32> -> vector<128x16xf32>
    %transpose3A = tpu.transpose %convert_element_type3A_3, [1, 0] : vector<128x16xf32> -> vector<16x128xf32>
    %dot_general3A_15 = arith.constant dense<0.000000e+00> : vector<128x128xf32>
    %dot_general3A_16 = tpu.matmul %dot_general3A_14, %transpose3A, %dot_general3A_15 {dimension_numbers = #tpu.dot_dimension_numbers<[1], [0], [0], [1], [0, 0, 1, 1], [], []>, transpose_lhs_hint = false} : vector<128x16xf32>, vector<16x128xf32>, vector<128x128xf32> -> vector<128x128xf32>
    %jit3A = arith.constant 0.000000e+00 : f32
    %broadcast_in_dim3A = vector.broadcast %jit3A : f32 to vector<128x128xf32>
    %select_n3A = arith.select %eq3A_11, %dot_general3A_16, %broadcast_in_dim3A : vector<128x128xi1>, vector<128x128xf32>
    %get3A_17 = arith.constant 0 : index
    %get3A_18 = arith.constant 0 : index
    %get3A_19 = vector.load %arg5[%get3A_17, %get3A_18] : memref<16x16xf32, #tpu.memory_space<vmem>>, vector<16x16xf32>
    %dot_general3A_20 = arith.constant dense<0.000000e+00> : vector<128x16xf32>
    %dot_general3A_21 = tpu.matmul %convert_element_type3A_3, %get3A_19, %dot_general3A_20 {dimension_numbers = #tpu.dot_dimension_numbers<[1], [0], [0], [1], [0, 0, 1, 1], [], []>, transpose_lhs_hint = false} : vector<128x16xf32>, vector<16x16xf32>, vector<128x16xf32> -> vector<128x16xf32>
    %transpose3A_22 = tpu.transpose %convert_element_type3A_3, [1, 0] : vector<128x16xf32> -> vector<16x128xf32>
    %dot_general3A_23 = arith.constant dense<0.000000e+00> : vector<128x128xf32>
    %dot_general3A_24 = tpu.matmul %dot_general3A_21, %transpose3A_22, %dot_general3A_23 {dimension_numbers = #tpu.dot_dimension_numbers<[1], [0], [0], [1], [0, 0, 1, 1], [], []>, transpose_lhs_hint = false} : vector<128x16xf32>, vector<16x128xf32>, vector<128x128xf32> -> vector<128x128xf32>
    %jit3A_25 = arith.constant 0.000000e+00 : f32
    %broadcast_in_dim3A_26 = vector.broadcast %jit3A_25 : f32 to vector<128x128xf32>
    %select_n3A_27 = arith.select %eq3A_11, %dot_general3A_24, %broadcast_in_dim3A_26 : vector<128x128xi1>, vector<128x128xf32>
    %get3A_28 = arith.constant 0 : index
    %get3A_29 = vector.load %arg4[%get3A_28] : memref<16xf32, #tpu.memory_space<vmem>>, vector<16xf32>
    %reshape3A = vector.shape_cast %get3A_29 : vector<16xf32> to vector<1x16xf32>
    %transpose3A_30 = tpu.transpose %convert_element_type3A_3, [1, 0] : vector<128x16xf32> -> vector<16x128xf32>
    %dot_general3A_31 = arith.constant dense<0.000000e+00> : vector<1x128xf32>
    %dot_general3A_32 = tpu.matmul %reshape3A, %transpose3A_30, %dot_general3A_31 {dimension_numbers = #tpu.dot_dimension_numbers<[1], [0], [0], [1], [0, 0, 1, 1], [], []>, transpose_lhs_hint = false} : vector<1x16xf32>, vector<16x128xf32>, vector<1x128xf32> -> vector<1x128xf32>
    %get3A_33 = arith.constant 0 : index
    %get3A_34 = vector.load %arg6[%get3A_33] : memref<16xf32, #tpu.memory_space<vmem>>, vector<16xf32>
    %reshape3A_35 = vector.shape_cast %get3A_34 : vector<16xf32> to vector<1x16xf32>
    %transpose3A_36 = tpu.transpose %convert_element_type3A_3, [1, 0] : vector<128x16xf32> -> vector<16x128xf32>
    %dot_general3A_37 = arith.constant dense<0.000000e+00> : vector<1x128xf32>
    %dot_general3A_38 = tpu.matmul %reshape3A_35, %transpose3A_36, %dot_general3A_37 {dimension_numbers = #tpu.dot_dimension_numbers<[1], [0], [0], [1], [0, 0, 1, 1], [], []>, transpose_lhs_hint = false} : vector<1x16xf32>, vector<16x128xf32>, vector<1x128xf32> -> vector<1x128xf32>
    %get3A_39 = arith.constant 0 : index
    %get3A_40 = arith.constant 0 : index
    %get3A_41 = vector.load %arg1[%get3A_39, %get3A_40] : memref<2048x128xf32, #tpu.memory_space<vmem>>, vector<2048x128xf32>
    %dot_general3A_42 = arith.constant dense<0.000000e+00> : vector<2048x128xf32>
    %dot_general3A_43 = tpu.matmul %get3A_41, %select_n3A, %dot_general3A_42 {dimension_numbers = #tpu.dot_dimension_numbers<[1], [0], [0], [1], [0, 0, 1, 1], [], []>, transpose_lhs_hint = false} : vector<2048x128xf32>, vector<128x128xf32>, vector<2048x128xf32> -> vector<2048x128xf32>
    %get3A_44 = arith.constant 0 : index
    %get3A_45 = arith.constant 0 : index
    %get3A_46 = vector.load %arg2[%get3A_44, %get3A_45] : memref<2048x128xf32, #tpu.memory_space<vmem>>, vector<2048x128xf32>
    %add3A = arith.addf %dot_general3A_43, %get3A_46 : vector<2048x128xf32>
    %add3A_47 = vector.broadcast %dot_general3A_32 : vector<1x128xf32> to vector<2048x128xf32>
    %add3A_48 = arith.addf %add3A, %add3A_47 : vector<2048x128xf32>
    %max3A = arith.constant 0.000000e+00 : f32
    %max3A_49 = vector.broadcast %max3A : f32 to vector<2048x128xf32>
    %max3A_50 = arith.maximumf %add3A_48, %max3A_49 : vector<2048x128xf32>
    %dot_general3A_51 = arith.constant dense<0.000000e+00> : vector<2048x128xf32>
    %dot_general3A_52 = tpu.matmul %max3A_50, %select_n3A_27, %dot_general3A_51 {dimension_numbers = #tpu.dot_dimension_numbers<[1], [0], [0], [1], [0, 0, 1, 1], [], []>, transpose_lhs_hint = false} : vector<2048x128xf32>, vector<128x128xf32>, vector<2048x128xf32> -> vector<2048x128xf32>
    %add3A_53 = vector.broadcast %dot_general3A_38 : vector<1x128xf32> to vector<2048x128xf32>
    %add3A_54 = arith.addf %dot_general3A_52, %add3A_53 : vector<2048x128xf32>
    %swap3A = arith.constant 0 : index
    %swap3A_55 = arith.constant 0 : index
    %swap3A_56 = vector.load %arg7[%swap3A, %swap3A_55] : memref<2048x128xf32, #tpu.memory_space<vmem>>, vector<2048x128xf32>
    tpu.vector_store %arg7[%swap3A, %swap3A_55], %add3A_54 {strides = array<i32>} : memref<2048x128xf32, #tpu.memory_space<vmem>>, vector<2048x128xf32>,
    return
  }
  func.func @transform_0(%arg0: i32) -> (i32, i32) {
    %c0_i32 = arith.constant 0 : i32
    %c0_i32_0 = arith.constant 0 : i32
    %c0_i32_1 = arith.constant 0 : i32
    return %c0_i32, %c0_i32_0 : i32, i32
  }
  func.func @transform_1(%arg0: i32) -> (i32, i32) {
    %c0_i32 = arith.constant 0 : i32
    %c0_i32_0 = arith.constant 0 : i32
    %c0_i32_1 = arith.constant 0 : i32
    return %c0_i32, %c0_i32_0 : i32, i32
  }
  func.func @transform_2(%arg0: i32) -> (i32, i32) {
    %c0_i32 = arith.constant 0 : i32
    %c0_i32_0 = arith.constant 0 : i32
    %c0_i32_1 = arith.constant 0 : i32
    return %c0_i32, %c0_i32_0 : i32, i32
  }
  func.func @transform_3(%arg0: i32) -> i32 {
    %c0_i32 = arith.constant 0 : i32
    %c0_i32_0 = arith.constant 0 : i32
    return %c0_i32 : i32
  }
  func.func @transform_4(%arg0: i32) -> (i32, i32) {
    %c0_i32 = arith.constant 0 : i32
    %c0_i32_0 = arith.constant 0 : i32
    %c0_i32_1 = arith.constant 0 : i32
    return %c0_i32, %c0_i32_0 : i32, i32
  }
  func.func @transform_5(%arg0: i32) -> i32 {
    %c0_i32 = arith.constant 0 : i32
    %c0_i32_0 = arith.constant 0 : i32
    return %c0_i32 : i32
  }
  func.func @transform_6(%arg0: i32) -> (i32, i32) {
    %c0_i32 = arith.constant 0 : i32
    %c0_i32_0 = arith.constant 0 : i32
    %c0_i32_1 = arith.constant 0 : i32
    return %c0_i32, %c0_i32_0 : i32, i32
  }
}

</mosaic_0001>

<sc_bundles>
// kernel: kernel.4.cloned.1.call-start
scs
__scs_entry_jumppad:
0x0: {  	(pc) =	sbr.rel $0x88, $3  }
0x1: {  	(tag) =	ssettag $0x0;
	lr =	simm.s32 $0x1  }
0x2: {  	[smem:$0x3F97] =	sst lr;
	_ =	strace $0xD0000000  }
0x3: {  	_ = 	snop  }
0x4: {  	_ = 	snop  }
0x5: {  	_ = 	snop  }
0x6: {  	_ = 	snop  }
0x7: {  	_ = 	snop  }
__scs_overlays_trampoline_lowered:
0x8: {  	[smem:$0x3FA6] =	sst s0  }
0x9: {  	[smem:$0x3FA7] =	sst s1  }
0xa: {  	[smem:$0x3FA8] =	sst s2  }
0xb: {  	[smem:$0x3FA9] =	sst s3  }
0xc: {  	[smem:$0x3FAA] =	sst s4  }
0xd: {  	[smem:$0x3FAB] =	sst s5  }
0xe: {  	[smem:$0x3FAC] =	sst s6  }
0xf: {  	[smem:$0x3FAD] =	sst s7  }
0x10: {  	[smem:$0x3FAE] =	sst s8  }
0x11: {  	[smem:$0x3FAF] =	sst s9;
	s0 =	simm.s32 @!p0 $0x0  }
0x12: {  	s1 =	sld [smem:$0x3F95];
	s0 =	simm.s32 @p0 $0x1  }
0x13: {  	[smem:$0x3FB0] =	sst s0;
	s0 =	simm.s32 @!p1 $0x0  }
0x14: {  	s2 =	sld [smem:$0x3F94];
	s0 =	simm.s32 @p1 $0x1  }
0x15: {  	[smem:$0x3FB1] =	sst s0;
	s0 =	simm.s32 @!p2 $0x0  }
0x16: {  	s3 =	sld [smem:$0x3FDB];
	s0 =	simm.s32 @p2 $0x1  }
0x17: {  	s4 =	simm.s32 $0x1BF5;
	[smem:$0x3FB3] =	sst s0  }
0x18: {  	s0 =	sld [smem:$0x3F96];
	_ =	swait.ge [sflag:s4], $0x0  }
0x19: {  	s7 =	sld [smem:$0x3F97]  }
0x1a: {  	s8 =	sadd.s32 $0xFFFFE003, lr  }
0x1b: {  	s9 =	sadd.s32 $0xFFFFFEF7, lr;
	s5 =	simm.s32 $0xFFFFFFFF;
	p2 =	slt.u32 s8, $0xFFFFF086  }
0x1c: {  	p1 =	slt.u32 s9, $0xF7A;
	s5 =	simm.s32 @!p2 $0x0  }
0x1d: {  	s5 =	simm.s32 @p1 $0x1;
	p0 =	seq.s32 s7, s2  }
0x1e: {  	s7 =	smul.u32 @!p0 $0xF7A, s2;
	p2 =	seq.s32 @!p0 s5, $0x0  }
0x1f: {  	s9 =	smul.u32 $0xF7A, s1;
	s8 =	simm.s32 @!p0 $0x1BF5;
	p2 =	por !p2, p0  }
0x20: {  	[sflag:s8] =	ssyncset.s32 @!p0 $0xFFFFF086;
	s6 =	sadd.s32 @!p0 s3, s7;
	s7 =	simm.s32 @!p0 $0x108  }
0x21: {  	s3 =	sadd.s32 s3, s9;
	s6 =	sadd.s32 @!p0 $0x88, s6;
	s7 =	simm.s32 @p2 $0x1082  }
0x22: {  	[simem:s7], [sflag:s8] =	dma.local @!p0 [hbm:s6], $0xF7A  }
0x23: {  	s9 =	sor.u32 $0xD0000000, s2;
	s6 =	simm.s32 $0x108;
	_ =	swait.ge @!p0 [sflag:s8], $0x0  }
0x24: {  	s3 =	sadd.s32 $0x88, s3;
	s6 =	simm.s32 @!p1 $0x1082;
	[sflag:s4] =	ssyncset.s32 $0xFFFFF086  }
0x25: {  	[simem:s6], [sflag:s4] =	dma.local [hbm:s3], $0xF7A  }
0x26: {  	[smem:$0x3F97] =	sst s1;
	(tag) =	ssettag s2;
	_ =	strace s9  }
0x27: {  	s1 =	sld [smem:$0x3FA7]  }
0x28: {  	s2 =	sld [smem:$0x3FA8]  }
0x29: {  	s4 =	sld [smem:$0x3FAA]  }
0x2a: {  	p0 =	seq.s32 s5, $0x0;
	s5 =	sld [smem:$0x3FAB]  }
0x2b: {  	s6 =	sld [smem:$0x3FAC]  }
0x2c: {  	s7 =	sld [smem:$0x3FAD]  }
0x2d: {  	s3 =	simm.s32 $0x108;
	s8 =	sld [smem:$0x3FAE]  }
0x2e: {  	s3 =	simm.s32 @!p0 $0x1082;
	s9 =	sld [smem:$0x3FAF]  }
0x2f: {  	lr =	sadd.s32 s0, s3;
	s0 =	sld [smem:$0x3FA6]  }
0x30: {  	s3 =	sld [smem:$0x3FA9]  }
0x31: {  	[smem:$0x3FB2] =	sst s10  }
0x32: {  	s10 =	sld [smem:$0x3FB0];
	_ =	sdelay $0x3  }
0x33: {  	p0 =	seq.s32 s10, $0x1;
	s10 =	sld [smem:$0x3FB2];
	_ =	sdelay $0x3  }
0x34: {  	[smem:$0x3FB2] =	sst s10  }
0x35: {  	s10 =	sld [smem:$0x3FB1];
	_ =	sdelay $0x3  }
0x36: {  	p1 =	seq.s32 s10, $0x1;
	s10 =	sld [smem:$0x3FB2];
	_ =	sdelay $0x3  }
0x37: {  	[smem:$0x3FB2] =	sst s10  }
0x38: {  	s10 =	sld [smem:$0x3FB3]  }
0x39: {  	_ = 	snop;
	(pc) =	sbr.ind lr, $3  }
0x3a: {  	_ = 	snop  }
0x3b: {  	_ = 	snop  }
0x3c: {  	p2 =	seq.s32 s10, $0x1;
	s10 =	sld [smem:$0x3FB2]  }
0x3d: {  	_ =	shalt  }
0x3e: {  	_ =	shalt  }
0x3f: {  	_ =	shalt  }
0x40: {  	_ =	shalt  }
0x41: {  	_ =	shalt  }
0x42: {  	_ =	shalt  }
0x43: {  	_ =	shalt  }
0x44: {  	_ =	shalt  }
0x45: {  	_ =	shalt  }
0x46: {  	_ =	shalt  }
0x47: {  	_ =	shalt  }
0x48: {  	_ =	shalt  }
0x49: {  	_ =	shalt  }
0x4a: {  	_ =	shalt  }
0x4b: {  	_ =	shalt  }
0x4c: {  	_ =	shalt  }
0x4d: {  	_ =	shalt  }
0x4e: {  	_ =	shalt  }
0x4f: {  	_ =	shalt  }
0x50: {  	_ =	shalt  }
0x51: {  	_ =	shalt  }
0x52: {  	_ =	shalt  }
0x53: {  	_ =	shalt  }
0x54: {  	_ =	shalt  }
0x55: {  	_ =	shalt  }
0x56: {  	_ =	shalt  }
0x57: {  	_ =	shalt  }
0x58: {  	_ =	shalt  }
0x59: {  	_ =	shalt  }
0x5a: {  	_ =	shalt  }
0x5b: {  	_ =	shalt  }
0x5c: {  	_ =	shalt  }
0x5d: {  	_ =	shalt  }
0x5e: {  	_ =	shalt  }
0x5f: {  	_ =	shalt  }
0x60: {  	_ =	shalt  }
0x61: {  	_ =	shalt  }
0x62: {  	_ =	shalt  }
0x63: {  	_ =	shalt  }
0x64: {  	_ =	shalt  }
0x65: {  	_ =	shalt  }
0x66: {  	_ =	shalt  }
0x67: {  	_ =	shalt  }
0x68: {  	_ =	shalt  }
0x69: {  	_ =	shalt  }
0x6a: {  	_ =	shalt  }
0x6b: {  	_ =	shalt  }
0x6c: {  	_ =	shalt  }
0x6d: {  	_ =	shalt  }
0x6e: {  	_ =	shalt  }
0x6f: {  	_ =	shalt  }
0x70: {  	_ =	shalt  }
0x71: {  	_ =	shalt  }
0x72: {  	_ =	shalt  }
0x73: {  	_ =	shalt  }
0x74: {  	_ =	shalt  }
0x75: {  	_ =	shalt  }
0x76: {  	_ =	shalt  }
0x77: {  	_ =	shalt  }
0x78: {  	_ =	shalt  }
0x79: {  	_ =	shalt  }
0x7a: {  	_ =	shalt  }
0x7b: {  	_ =	shalt  }
0x7c: {  	_ =	shalt  }
0x7d: {  	_ =	shalt  }
0x7e: {  	_ =	shalt  }
0x7f: {  	_ =	shalt  }
0x80: {  	_ =	shalt  }
0x81: {  	_ =	shalt  }
0x82: {  	_ =	shalt  }
0x83: {  	_ =	shalt  }
0x84: {  	_ =	shalt  }
0x85: {  	_ =	shalt  }
0x86: {  	_ =	shalt  }
0x87: {  	_ =	shalt  }
.Lfunc_end0:
.L_simem_size_0:
called_computation_lowered:
.L_overlay_start_0:
0x88: {  	s2 =	sld [smem:$0x3FD9]  }
0x89: {  	s3 =	sld [smem:$0x3FFE];
	_ =	sdelay $0x1  }
0x8a: {  	s1 =	srdreg.scid  }
0x8b: {  	s0 =	sand.u32 $0x1, s1  }
0x8c: {  	s17 =	sshll.u32 s0, $0xA;
	s2 =	sadd.s32 s3, s2  }
0x8d: {  	s2 =	sadd.s32 s2, s17  }
0x8e: {  	[smem:$0x3FBE] =	sst s2  }
0x8f: {  	_ = 	snop  }
0x90: {  	s2 =	sld [smem:$0x3FC9]  }
0x91: {  	s18 =	sld [smem:$0x3FC8]  }
0x92: {  	s4 =	sld [smem:$0x3FC7]  }
0x93: {  	s5 =	sld [smem:$0x3FC6]  }
0x94: {  	s6 =	sld [smem:$0x3FC5]  }
0x95: {  	s7 =	sld [smem:$0x3FD0];
	(tm) =	ssettm $0x1  }
0x96: {  	s8 =	sld [smem:$0x3FFB];
	_ =	sdelay $0x3  }
0x97: {  	_ =	strace s8  }
0x98: {  	s8 =	sld [smem:$0x3FFC];
	_ =	sdelay $0x3  }
0x99: {  	_ =	strace s8  }
0x9a: {  	s8 =	sld [smem:$0x3FFD];
	_ =	sdelay $0x3  }
0x9b: {  	_ =	strace s8  }
0x9c: {  	_ =	strace $0x8FFFFFFF  }
0x9d: {  	s19 =	sld [smem:$0x3FDB];
	_ =	sdelay $0x1  }
0x9e: {  	s9 =	simm.s32 $_scs_section_size  }
0x9f: {  	s10 =	simm.s32 $_size__tile_overlayer_lowered;
	s11 =	simm.s32 $_tile_overlayer_lowered  }
0xa0: {  	s22 =	simm.s32 $0x1BFF;
	s21 =	sshll.u32 s11, $0x1;
	s8 =	sadd.s32 s9, s19  }
0xa1: {  	s12 =	simm.s32 $0x0;
	s20 =	sshll.u32 s10, $0x1;
	s10 =	sadd.s32 s21, s8  }
0xa2: {  	[timem:s12], [sflag:s22] =	dma.local [hbm:s10], s20  }
0xa3: {  	_ =	swait.ge [sflag:s22], s20  }
0xa4: {  	s9 =	ssub.s32 $0x0, s20;
	[sflag:s22] =	ssyncset.done $0x0  }
0xa5: {  	[sflag:s22] =	ssyncadd.s32 s9;
	_ =	sdelay $0x1  }
0xa6: {  	s23 =	simm.s32 $0x1B8B  }
0xa7: {  	_ =	swait.ge [sflag:s23], $0x1  }
0xa8: {  	[sflag:s23] =	ssyncset.done $0x0  }
0xa9: {  	s25 =	simm.s32 $0x1B8E;
	s24 =	sld [smem:$0x3FFE];
	[sflag:s23] =	ssyncadd.s32 $0xFFFFFFFF  }
0xaa: {  	s26 =	simm.s32 $execute0_lowered;
	[smem:$0x3FD2] =	sst s25  }
0xab: {  	s10 =	sshll.u32 s26, $0x1;
	_ =	strace $0x80000046;
	[dreg:$0x1] =	wrdreg $0xFFFFFFFF  }
0xac: {  	s28 =	simm.s32 $_size_execute0_lowered;
	s8 =	sadd.s32 s8, s10;
	[dreg:$0x0] =	wrdreg $0x0  }
0xad: {  	s10 =	sshll.u32 s28, $0x1;
	[dreg:$0x2] =	wrdreg s8  }
0xae: {  	[dreg:$0x3] =	wrdreg s10  }
0xaf: {  	[dreg:$0x4] =	wrdreg $0xC0  }
0xb0: {  	_ =	task [dreg:s12], $0x5FFFF  }
0xb1: {  	[dreg:$0x1] =	wrdreg $0xFFFFFFFF  }
0xb2: {  	[dreg:$0x0] =	wrdreg $0x60  }
0xb3: {  	[dreg:$0x2] =	wrdreg s2  }
0xb4: {  	[dreg:$0x3] =	wrdreg s18  }
0xb5: {  	[dreg:$0x4] =	wrdreg s4  }
0xb6: {  	[dreg:$0x5] =	wrdreg s5  }
0xb7: {  	[dreg:$0x6] =	wrdreg s6  }
0xb8: {  	[dreg:$0x7] =	wrdreg s24  }
0xb9: {  	[dreg:$0x8] =	wrdreg s7  }
0xba: {  	[dreg:$0x9] =	wrdreg $0x4A300  }
0xbb: {  	[dreg:$0xa] =	wrdreg $0x4E200  }
0xbc: {  	[dreg:$0xb] =	wrdreg $0x9  }
0xbd: {  	_ =	task.clear_ibuf [dreg:s12], $0xCFFFF;
	_ =	strace $0x90000046  }
0xbe: {  	s29 =	simm.s32 $0x9;
	_ =	strace $0x80000048  }
0xbf: {  	_ =	swait.ge [sflag:s29], $0x1  }
0xc0: {  	[sflag:s29] =	ssyncadd.s32 $0xFFFFFFFF  }
0xc1: {  	_ =	strace $0x90000048  }
0xc2: {  	_ =	sfence  }
0xc3: {  	s30 =	sld [smem:$0x0];
	_ =	sdelay $0x2  }
0xc4: {  	s31 =	sshll.u32 s1, $0xD;
	s1 =	sshrl.u32 s1, $0x2  }
0xc5: {  	s3 =	sand.u32 $0x4000, s31;
	s1 =	sadd.s32 s1, s30  }
0xc6: {  	s0 =	sor.u32 s3, s0;
	s1 =	sshll.u32 s1, $0x11  }
0xc7: {  	s0 =	sor.u32 s1, s0  }
0xc8: {  	s0 =	sadd.s32 $0x8F2B, s0  }
0xc9: {  	[sflag:s0] =	ssyncadd.remote.s32 $0x1  }
0xca: {  	_ =	sfence.sel $0xFFFF  }
0xcb: {  	[dreg:$0x0] =	wrdreg $0xFFFFFFFF;
	(pc) =	sbr.abs _section_cstart, $3  }
0xcc: {  	[dreg:$0x1] =	wrdreg $0xFFFFFFFF  }
0xcd: {  	_ =	task.clear_ibuf [dreg:s12], $0x2FFFF;
	_ =	strace $0x9FFFFFFF  }
0xce: {  	(tm) =	ssettm $0x7FFFFFFF  }
0xcf: {  	_ =	shalt  }
tec
execute0_lowered:
.L_overlay_start_1:
0x0: {  	(tag) =	ssettag $0x1  }
0x1: {  	s0 =	rddreg [dreg:$0x0]  }
0x2: {  	s1 =	rddreg [dreg:$0x1]  }
0x3: {  	s2 =	rddreg [dreg:$0x2]  }
0x4: {  	s4 =	rddreg [dreg:$0x3]  }
0x5: {  	s5 =	rddreg [dreg:$0x4]  }
0x6: {  	s6 =	rddreg [dreg:$0x5]  }
0x7: {  	s7 =	rddreg [dreg:$0x6]  }
0x8: {  	s19 =	rddreg [dreg:$0x7]  }
0x9: {  	s21 =	rddreg [dreg:$0x8];
	s8 =	srdreg.scid;
	s3 =	simm.s32 $0x0  }
0xa: {  	s9 =	stileid.u32;
	s15 =	simm.s32 $0x200;
	s28 =	simm.s32 $0x3  }
0xb: {  	s29 =	simm.s32 $0x4;
	s30 =	simm.s32 $0x5;
	s31 =	simm.s32 $0x6  }
0xc: {  	s8 =	sand.u32 $0x1, s8;
	[smem:$0x7FF] =	sst s3;
	s10 =	sshll.u32 s9, $0xA  }
0xd: {  	s16 =	sadd.s32 $0x1400, s6;
	s24 =	sadd.s32 $0x1254, s6;
	s25 =	sadd.s32 $0x1220, s6  }
0xe: {  	p0 =	sne.s32 s9, $0x0;
	_ =	strace $0x80000047;
	[dreg:$0xa] =	wrdreg s16  }
0xf: {  	s11 =	sshll.u32 s8, $0x9;
	s8 =	ssub.s32 $0x2, s8;
	[dreg:$0x10] =	wrdreg s24  }
0x10: {  	[dreg:$0x11] =	wrdreg s25;
	s16 =	simm.s32 $0x400;
	s10 =	sor.u32 s11, s10  }
0x11: {  	s21 =	sshrl.u32 @!p0 s21, $0x3;
	s12 =	sshll.u32 s10, $0x1;
	s10 =	sshrl.u32 s10, $0x3  }
0x12: {  	s24 =	simm.s32 $0x2;
	s25 =	simm.s32 $0x2A30;
	s0 =	sadd.s32 s0, s10  }
0x13: {  	s17 =	sshrl.u32 s8, $0x1;
	s18 =	sadd.s32 s1, s10;
	[dreg:$0xb] =	wrdreg s0  }
0x14: {  	s8 =	ssub.s32 s8, s17;
	s20 =	sadd.s32 s2, s10;
	[dreg:$0xc] =	wrdreg s18  }
0x15: {  	s17 =	simm.s32 $0x600;
	s22 =	sadd.s32 s4, s10;
	[dreg:$0xd] =	wrdreg s20  }
0x16: {  	s13 =	sadd.s32 s12, s6;
	s23 =	sadd.s32 s5, s10;
	[dreg:$0xe] =	wrdreg s22  }
0x17: {  	s26 =	sadd.s32 s7, s12;
	s14 =	smax.u32 s8, $0x1;
	[dreg:$0xf] =	wrdreg s23  }
0x18: {  	s1 =	simm.s32 $0x9;
	s2 =	simm.s32 $0x0;
	[dreg:$0x12] =	wrdreg s26  }
0x19: {  	v0 =	vimm.s32 $0x0;
	vm0 =	vcmask $0x300;
	s13 =	sadd.s32 $0x1C00, s13;
	s18 =	simm.s32 $0x800;
	s20 =	sshrl.u32 @!p0 s19, $0x3  }
0x1a: {  	v0 =	vsel vm0, $0x3, v0;
	s22 =	simm.s32 $0x1;
	s26 =	simm.s32 $0x7;
	s0 =	simm.s32 $0x8  }
.LBB2_1:
0x1b: {  	s4 =	rddreg [dreg:$0xb]  }
0x1c: {  	[tilespmem:s3], [sflag:$0x1] =	stream.linear.gather [hbm4b:s4+s3], $0x200, $0x38;
	[tilespmem:$0x4E40] =	vst v63  }
0x1d: {  	s8 =	rddreg [dreg:$0xc]  }
0x1e: {  	[tilespmem:s15], [sflag:$0x2] =	stream.linear.gather [hbm4b:s8+s3], $0x200, $0x38;
	[tilespmem:$0x4E40] =	vst v63  }
0x1f: {  	s9 =	rddreg [dreg:$0xd]  }
0x20: {  	[tilespmem:s16], [sflag:$0x3] =	stream.linear.gather [hbm4b:s9+s3], $0x200, $0x38;
	[tilespmem:$0x4E40] =	vst v63  }
0x21: {  	s10 =	rddreg [dreg:$0xe]  }
0x22: {  	[tilespmem:s17], [sflag:$0x4] =	stream.linear.gather [hbm4b:s10+s3], $0x200, $0x38;
	[tilespmem:$0x4E40] =	vst v63  }
0x23: {  	s11 =	rddreg [dreg:$0xf]  }
0x24: {  	[tilespmem:s18], [sflag:$0x5] =	stream.linear.gather [hbm4b:s11+s3], $0x200, $0x38;
	[tilespmem:$0x4E40] =	vst v63  }
0x25: {  	s12 =	rddreg [dreg:$0x10];
	s5 =	simm.s32 $0xA00  }
0x26: {  	[tilespmem:s5], [sflag:$0x6] =	stream.linear.gather [hbm4b:s12+s3], $0x30, $0x38;
	[tilespmem:$0x4E40] =	vst v63  }
0x27: {  	s4 =	simm.s32 @!p0 $0x1C0A;
	s5 =	rddreg [dreg:$0xa]  }
0x28: {  	[spmem:s20], [sflag:s4] =	dma.local @!p0 [hbm:s5], $0x7D2  }
0x29: {  	s4 =	simm.s32 @!p0 $0x1C0B;
	s5 =	rddreg [dreg:$0x11]  }
0x2a: {  	[spmem:s21], [sflag:s4] =	dma.local @!p0 [hbm:s5], $0x34  }
0x2b: {  	s4 =	simm.s32 @!p0 $0xA  }
0x2c: {  	_ =	swait.ge @!p0 [sflag:s4], $0x7D2  }
0x2d: {  	[sflag:s4] =	ssyncset.done @!p0 $0x0  }
0x2e: {  	[sflag:s4] =	ssyncadd.s32 @!p0 $0xFFFFF82E;
	s4 =	simm.s32 @!p0 $0xB  }
0x2f: {  	_ =	swait.ge @!p0 [sflag:s4], $0x34  }
0x30: {  	[sflag:s4] =	ssyncset.done @!p0 $0x0  }
0x31: {  	[sflag:s4] =	ssyncadd.s32 @!p0 $0xFFFFFFCC  }
0x32: {  	[bflag:$0x0] =	sbarrier.arrive $0xFFFF  }
0x33: {  	_ =	swait.ge [sflag:s22], $0x200  }
0x34: {  	[sflag:s22] =	ssyncset.done $0x0  }
0x35: {  	[sflag:s22] =	ssyncadd.s32 $0xFFFFFE00  }
0x36: {  	s23 =	simm.s32 $0xA30;
	s19 =	rddreg [dreg:$0x7]  }
0x37: {  	[tilespmem:s23], [sflag:$0x7] =	stream.indirect.gather [spmem:s19], $0x10, s3, s15, $0xb8;
	[tilespmem:$0x4E40] =	vst v63  }
0x38: {  	_ =	swait.ge [sflag:s24], $0x200  }
0x39: {  	[sflag:s24] =	ssyncset.done $0x0  }
0x3a: {  	[sflag:s24] =	ssyncadd.s32 $0xFFFFFE00  }
0x3b: {  	s6 =	rddreg [dreg:$0x8]  }
0x3c: {  	[tilespmem:s25], [sflag:$0x8] =	stream.indirect.gather [spmem:s6], $0x10, s15, s15, $0xb8;
	[tilespmem:$0x4E40] =	vst v63  }
0x3d: {  	_ =	swait.ge [sflag:s26], $0x2000  }
0x3e: {  	[sflag:s26] =	ssyncset.done $0x0  }
0x3f: {  	s7 =	rddreg [dreg:$0x12];
	[sflag:s26] =	ssyncadd.s32 $0xFFFFE000  }
0x40: {  	[hbm4b:s7+s3] =	stream.linear.scatter [tilespmem:s23], [sflag:$0x9], $0x2000, $0x38;
	[tilespmem:$0x4E40] =	vst v63  }
0x41: {  	_ =	swait.ge [sflag:s28], $0x200  }
0x42: {  	[sflag:s28] =	ssyncset.done $0x0  }
0x43: {  	[sflag:s28] =	ssyncadd.s32 $0xFFFFFE00  }
0x44: {  	_ =	swait.ge [sflag:s29], $0x200  }
0x45: {  	[sflag:s29] =	ssyncset.done $0x0  }
0x46: {  	[sflag:s29] =	ssyncadd.s32 $0xFFFFFE00  }
0x47: {  	_ =	swait.ge [sflag:s30], $0x200  }
0x48: {  	[sflag:s30] =	ssyncset.done $0x0  }
0x49: {  	[sflag:s30] =	ssyncadd.s32 $0xFFFFFE00  }
0x4a: {  	_ =	swait.ge [sflag:s31], $0x30  }
0x4b: {  	[sflag:s31] =	ssyncset.done $0x0  }
0x4c: {  	[sflag:s31] =	ssyncadd.s32 $0xFFFFFFD0  }
0x4d: {  	_ =	swait.ge [sflag:s0], $0x2000  }
0x4e: {  	[sflag:s0] =	ssyncset.done $0x0  }
0x4f: {  	s8 =	simm.s32 $0x2;
	[sflag:s0] =	ssyncadd.s32 $0xFFFFE000  }
0x50: {  	v1 =	vmov s8;
	v3 =	vld [tilespmem:$0xA00]  }
0x51: {  	v1 =	vshrl.u32 v1, $0x3;
	v4 =	vld [tilespmem:$0xA10]  }
0x52: {  	s9 =	simm.s32 $0x9;
	v1 =	vshll.u32 v1, v0;
	s19 =	simm.s32 $0x2AB0;
	v7 =	vld [tilespmem:$0xA20]  }
0x53: {  	v2 =	vmov s9;
	v1 =	vadd.s32 $0x2, v1;
	v8 =	vld [tilespmem:s19+$0xFFFFFFF0]  }
0x54: {  	v15 =	vbroadcast v1, $0x0;
	v1 =	vshrl.u32 v2, $0x3;
	v11 =	vld [tilespmem:s19+$0x60]  }
0x55: {  	v1 =	vshll.u32 v1, v0;
	v12 =	vld [tilespmem:s19+$0x20]  }
0x56: {  	v1 =	vadd.s32 $0x1, v1;
	v10 =	vld [tilespmem:s19+$0xFFFFFFC0]  }
0x57: {  	v5 =	vbroadcast v1, $0x0;
	v18 =	vld [tilespmem:s19+$0x10]  }
0x58: {  	s10 =	simm.s32 $0xD;
	v19 =	vld [tilespmem:s19+$0x70]  }
0x59: {  	s11 =	simm.s32 $0x4;
	v1 =	vmov s10;
	v20 =	vld [tilespmem:s19+$0x40]  }
0x5a: {  	v2 =	vmov s11;
	v1 =	vshrl.u32 v1, $0x3;
	v9 =	vld.idx.msk [tilespmem:v15+s17+$0x0], $0xffff  }
0x5b: {  	v17 =	vmov s3;
	s12 =	simm.s32 $0x5;
	v2 =	vshrl.u32 v2, $0x3;
	v6 =	vshll.u32 v1, v0;
	v1 =	vld [tilespmem:s19+$0xFFFFFF90]  }
0x5c: {  	v13 =	vmov s12;
	v2 =	vshll.u32 v2, v0;
	v6 =	vadd.s32 $0x5, v6;
	s23 =	simm.s32 $0xF;
	v14 =	vld [tilespmem:s19+$0x0]  }
0x5d: {  	v13 =	vshrl.u32 v13, $0x3;
	v21 =	vbroadcast v6, $0x0;
	v6 =	vmov s23;
	v22 =	vld.idx.msk [tilespmem:v5+s16+$0x0], $0xffff  }
0x5e: {  	v2 =	vadd.s32 $0x4, v2;
	v13 =	vshll.u32 v13, v0;
	v6 =	vshrl.u32 v6, $0x3;
	v23 =	vld.idx.msk [tilespmem:v5+s17+$0x0], $0xffff  }
0x5f: {  	v16 =	vbroadcast v2, $0x0;
	v13 =	vadd.s32 $0x5, v13;
	v24 =	vshll.u32 v6, v0;
	v2 =	vld [tilespmem:s19+$0xFFFFFFD0]  }
0x60: {  	v6 =	vbroadcast v13, $0x0;
	v13 =	vshrl.u32 v17, $0x3;
	v24 =	vadd.s32 $0x7, v24;
	v25 =	vld [tilespmem:s19+$0xFFFFFFA0]  }
0x61: {  	v13 =	vshll.u32 v13, v0;
	v24 =	vbroadcast v24, $0x0;
	v26 =	vld.idx.msk [tilespmem:v5+s18+$0x0], $0xffff  }
0x62: {  	s8 =	simm.s32 $0xA;
	v28 =	vbroadcast v13, $0x0;
	v27 =	vld [tilespmem:s19+$0xFFFFFF80]  }
0x63: {  	v34 =	vmov s8;
	v29 =	vld.idx.msk [tilespmem:v21+s18+$0x0], $0xffff  }
0x64: {  	s9 =	simm.s32 $0x1;
	v34 =	vshrl.u32 v34, $0x3;
	s5 =	simm.s32 $0xC;
	v30 =	vld.idx.msk [tilespmem:v21+s16+$0x0], $0xffff  }
0x65: {  	v36 =	vmov s9;
	v34 =	vshll.u32 v34, v0;
	s10 =	simm.s32 $0xB;
	v17 =	vmov s5;
	v32 =	vld.idx.msk [tilespmem:v16+s16+$0x0], $0xffff  }
0x66: {  	v36 =	vshrl.u32 v36, $0x3;
	v37 =	vmov s10;
	v13 =	vshrl.u32 v17, $0x3;
	v17 =	vld.idx.msk [tilespmem:v6+s17+$0x0], $0xffff  }
0x67: {  	v34 =	vadd.s32 $0x2, v34;
	v36 =	vshll.u32 v36, v0;
	s11 =	simm.s32 $0x7;
	v37 =	vshrl.u32 v37, $0x3;
	v35 =	vld.idx.msk [tilespmem:v24+s16+$0x0], $0xffff  }
0x68: {  	v34 =	vbroadcast v34, $0x0;
	v40 =	vmov s11;
	v37 =	vshll.u32 v37, v0;
	s6 =	simm.s32 $0x8;
	v38 =	vld.idx.msk [tilespmem:v28+s18+$0x0], $0xffff  }
0x69: {  	s12 =	simm.s32 $0xE;
	v40 =	vshrl.u32 v40, $0x3;
	v37 =	vadd.s32 $0x3, v37;
	v5 =	vmov s6;
	v39 =	vld.idx.msk [tilespmem:v28+s17+$0x0], $0xffff  }
0x6a: {  	v42 =	vmov s12;
	v37 =	vbroadcast v37, $0x0;
	v46 =	vld [tilespmem:s19+$0x50];
	v5 =	vshrl.u32 v5, $0x3  }
0x6b: {  	v40 =	vshll.u32 v40, v0;
	v13 =	vshll.u32 v13, v0;
	v21 =	vld.idx.msk [tilespmem:v21+s17+$0x0], $0xffff;
	v5 =	vshll.u32 v5, v0  }
0x6c: {  	v42 =	vshrl.u32 v42, $0x3;
	v62 =	vld.idx.msk [tilespmem:v24+s18+$0x0], $0xffff;
	v31 =	vbroadcast v5, $0x0;
	v5 =	vadd.s32 $0x4, v13  }
0x6d: {  	v42 =	vshll.u32 v42, v0;
	s23 =	simm.s32 $0x6;
	v50 =	vld.idx.msk [tilespmem:v15+s16+$0x0], $0xffff;
	v33 =	vbroadcast v5, $0x0;
	v5 =	vmul.f32 $9.999989860e-01, v3  }
0x6e: {  	v42 =	vadd.s32 $0x6, v42;
	v44 =	vmov s23;
	v24 =	vld.idx.msk [tilespmem:v24+s17+$0x0], $0xffff;
	v4 =	vmul.f32 $9.999989860e-01, v4  }
0x6f: {  	v44 =	vshrl.u32 v44, $0x3;
	v28 =	vld.idx.msk [tilespmem:v28+s16+$0x0], $0xffff;
	v3 =	vmul.f32 $9.999989860e-01, v7;
	v22 =	vmul.f32 v22, v5  }
0x70: {  	s7 =	simm.s32 $0x3;
	v44 =	vshll.u32 v44, v0;
	v52 =	vld.idx.msk [tilespmem:v37+s16+$0x0], $0xffff;
	v48 =	vmul.f32 v9, v4;
	v32 =	vmul.f32 v32, v5  }
0x71: {  	v53 =	vld.idx.msk [tilespmem:v34+s16+$0x0], $0xffff;
	v7 =	vmov s7;
	v35 =	vmul.f32 v35, v5;
	v26 =	vmul.f32 v26, v3  }
0x72: {  	v13 =	vld [tilespmem:s19+$0x30];
	v7 =	vshrl.u32 v7, $0x3;
	v30 =	vmul.f32 v30, v5;
	v21 =	vmul.f32 v21, v4  }
0x73: {  	v9 =	vadd.s32 $0x6, v44;
	v38 =	vmul.f32 v38, v3;
	v29 =	vmul.f32 v29, v3;
	v41 =	vld.idx.msk [tilespmem:v31+s16+$0x0], $0xffff  }
0x74: {  	v28 =	vmul.f32 v28, v5;
	v18 =	vadd.f32 v22, v18;
	v22 =	vmul.f32 v23, v4;
	v45 =	vld.idx.msk [tilespmem:v33+s16+$0x0], $0xffff  }
0x75: {  	v49 =	vshll.u32 v7, v0;
	v55 =	vmul.f32 v39, v4;
	v47 =	vld.idx.msk [tilespmem:v31+s17+$0x0], $0xffff;
	v23 =	vbroadcast v42, $0x0  }
0x76: {  	v58 =	vmul.f32 v52, v5;
	v19 =	vadd.f32 v35, v19;
	v31 =	vld.idx.msk [tilespmem:v31+s18+$0x0], $0xffff;
	v18 =	vadd.f32 v22, v18  }
0x77: {  	v9 =	vbroadcast v9, $0x0;
	v60 =	vadd.f32 v32, v10;
	v22 =	vld.idx.msk [tilespmem:v15+s18+$0x0], $0xffff;
	v15 =	vadd.f32 v30, v46  }
0x78: {  	v10 =	vmul.f32 v17, v4;
	v43 =	vld.idx.msk [tilespmem:v33+s17+$0x0], $0xffff;
	v18 =	vadd.f32 v26, v18;
	v26 =	vmul.f32 v50, v5  }
0x79: {  	v61 =	vld.idx.msk [tilespmem:v33+s18+$0x0], $0xffff;
	v21 =	vadd.f32 v21, v15;
	v41 =	vmul.f32 v41, v5;
	v63 =	vmul.f32 v45, v5  }
0x7a: {  	v45 =	vadd.s32 $0x7, v40;
	[tilespmem:s19+$0x10] =	vst v18;
	v18 =	vmul.f32 v24, v4;
	v24 =	vadd.f32 v26, v25;
	v25 =	vld.idx.msk [tilespmem:v34+s17+$0x0], $0xffff  }
0x7b: {  	v51 =	vmul.f32 v47, v4;
	v21 =	vadd.f32 v29, v21;
	v54 =	vld.idx.msk [tilespmem:v23+s16+$0x0], $0xffff;
	v15 =	vbroadcast v45, $0x0  }
0x7c: {  	v26 =	vmul.f32 v62, v3;
	v56 =	vld.idx.msk [tilespmem:v23+s17+$0x0], $0xffff;
	v14 =	vadd.f32 v41, v14;
	v20 =	vadd.f32 v63, v20  }
0x7d: {  	v62 =	vld.idx.msk [tilespmem:v6+s18+$0x0], $0xffff;
	v22 =	vmul.f32 v22, v3;
	v24 =	vadd.f32 v48, v24;
	v18 =	vadd.f32 v18, v19  }
0x7e: {  	v57 =	vadd.s32 $0x3, v49;
	[tilespmem:s19+$0x50] =	vst v21;
	v19 =	vadd.f32 v28, v27;
	v21 =	vld.idx.msk [tilespmem:v16+s17+$0x0], $0xffff;
	v28 =	vadd.f32 v58, v13  }
0x7f: {  	v16 =	vld.idx.msk [tilespmem:v16+s18+$0x0], $0xffff;
	v59 =	vadd.f32 v51, v14;
	v22 =	vadd.f32 v22, v24;
	v24 =	vmul.f32 v53, v5  }
0x80: {  	v31 =	vmul.f32 v31, v3;
	v18 =	vadd.f32 v26, v18;
	v19 =	vadd.f32 v55, v19;
	v26 =	vld.idx.msk [tilespmem:v9+s16+$0x0], $0xffff  }
0x81: {  	v14 =	vbroadcast v57, $0x0;
	v12 =	vadd.f32 v24, v12;
	[tilespmem:s19+$0xFFFFFFA0] =	vst v22;
	v22 =	vmul.f32 v25, v4;
	v25 =	vld.idx.msk [tilespmem:v15+s16+$0x0], $0xffff  }
0x82: {  	v43 =	vmul.f32 v43, v4;
	v27 =	vld.idx.msk [tilespmem:v37+s17+$0x0], $0xffff;
	v24 =	vadd.f32 v38, v19;
	v19 =	vadd.f32 v31, v59  }
0x83: {  	[tilespmem:s19+$0x70] =	vst v18;
	v18 =	vld.idx.msk [tilespmem:v34+s18+$0x0], $0xffff;
	v22 =	vadd.f32 v22, v12;
	v12 =	vmul.f32 v21, v4  }
0x84: {  	v23 =	vld.idx.msk [tilespmem:v23+s18+$0x0], $0xffff;
	v20 =	vadd.f32 v43, v20;
	v29 =	vmul.f32 v54, v5;
	v16 =	vmul.f32 v16, v3  }
0x85: {  	v63 =	vld.idx.msk [tilespmem:v37+s18+$0x0], $0xffff;
	v21 =	vadd.s32 $0x1, v36;
	[tilespmem:s19+$0x0] =	vst v19;
	v19 =	vmul.f32 v26, v5;
	v12 =	vadd.f32 v12, v60  }
0x86: {  	v13 =	vld [tilespmem:s19+$0xFFFFFFE0];
	v17 =	vadd.f32 v29, v11;
	[tilespmem:s19+$0xFFFFFF80] =	vst v24;
	v11 =	vbroadcast v21, $0x0;
	v21 =	vmul.f32 v25, v5  }
0x87: {  	v24 =	vld.idx.msk [tilespmem:v14+s16+$0x0], $0xffff;
	v26 =	vmul.f32 v56, v4;
	v12 =	vadd.f32 v16, v12;
	v16 =	vmul.f32 v61, v3  }
0x88: {  	v27 =	vmul.f32 v27, v4;
	v25 =	vld.idx.msk [tilespmem:v15+s17+$0x0], $0xffff;
	v8 =	vadd.f32 v21, v8;
	v21 =	vmul.f32 v18, v3  }
0x89: {  	v7 =	vld [tilespmem:s19+$0xFFFFFFB0];
	[tilespmem:s19+$0xFFFFFFC0] =	vst v12;
	v12 =	vmul.f32 v62, v3;
	v16 =	vadd.f32 v16, v20;
	v18 =	vadd.f32 v26, v17  }
0x8a: {  	s4 =	simm.s32 $0x10;
	s5 =	simm.s32 $0x2BB0;
	v17 =	vld.idx.msk [tilespmem:v14+s17+$0x0], $0xffff;
	v20 =	vadd.f32 v27, v28;
	v26 =	vadd.f32 v21, v22;
	v22 =	vmul.f32 v63, v3  }
.LBB2_2:
0x8b: {  	s7 =	sadd.s32 $0x2, s4  }
0x8c: {  	v27 =	vmov s4;
	s8 =	sadd.s32 $0x3, s4;
	s6 =	sadd.s32 $0x6, s4;
	v21 =	vld.idx.msk [tilespmem:v14+s18+$0x0], $0xffff;
	v28 =	vadd.f32 v19, v13;
	s9 =	smov.u32 s4  }
0x8d: {  	s11 =	sadd.s32 $0x1, s4;
	s12 =	sadd.s32 $0x8, s4;
	v13 =	vshrl.u32 v27, $0x3;
	v14 =	vmov s7;
	s7 =	sadd.s32 $0x7, s4;
	v27 =	vld.idx.msk [tilespmem:v9+s17+$0x0], $0xffff;
	[tilespmem:s19+$0x20] =	vst v26;
	v26 =	vmul.f32 v23, v3  }
0x8e: {  	s23 =	sadd.s32 $0x5, s4;
	s10 =	sadd.s32 $0xF, s4;
	v29 =	vmov s8;
	s8 =	sadd.s32 $0xC, s4;
	v19 =	vmul.f32 v24, v5;
	v14 =	vshrl.u32 v14, $0x3;
	v24 =	vld.idx.msk [tilespmem:v9+s18+$0x0], $0xffff  }
0x8f: {  	p1 =	slt.u32 s4, $0x1F0;
	s4 =	sadd.s32 $0x10, s4;
	v9 =	vmov s11;
	s11 =	sadd.s32 $0x4, s9;
	v23 =	vmul.f32 v25, v4;
	v14 =	vshll.u32 v14, v0;
	v25 =	vld.idx.msk [tilespmem:v15+s18+$0x0], $0xffff  }
0x90: {  	v30 =	vmov s8;
	v15 =	vmov s11;
	v14 =	vadd.s32 $0x2, v14;
	v31 =	vld.idx.msk [tilespmem:v11+s16+$0x0], $0xffff  }
0x91: {  	s8 =	sadd.s32 $0xE, s9;
	v9 =	vshrl.u32 v9, $0x3;
	v32 =	vshrl.u32 v15, $0x3;
	v34 =	vadd.f32 v23, v8;
	v33 =	vld.idx.msk [tilespmem:v11+s18+$0x0], $0xffff  }
0x92: {  	v36 =	vadd.f32 v19, v7;
	v8 =	vmov s23;
	v15 =	vbroadcast v14, $0x0;
	v35 =	vld.idx.msk [tilespmem:v11+s17+$0x0], $0xffff  }
0x93: {  	v37 =	vmov s12;
	s11 =	sadd.s32 $0x9, s9;
	v7 =	vshll.u32 v32, v0;
	v32 =	vshrl.u32 v8, $0x3;
	v8 =	vld [tilespmem:s5+$0xFFFFFFF0]  }
0x94: {  	v13 =	vshll.u32 v13, v0;
	v38 =	vadd.s32 $0x4, v7;
	v7 =	vmov s11;
	s11 =	sadd.s32 $0xA, s9;
	v11 =	vld [tilespmem:s5+$0x60]  }
0x95: {  	v19 =	vbroadcast v13, $0x0;
	v7 =	vshrl.u32 v7, $0x3;
	v13 =	vmov s11;
	s11 =	sadd.s32 $0xB, s9;
	v6 =	vld.idx.msk [tilespmem:v6+s16+$0x0], $0xffff  }
0x96: {  	v7 =	vshll.u32 v7, v0;
	v23 =	vshrl.u32 v13, $0x3;
	v31 =	vmul.f32 v31, v5;
	v14 =	vld [tilespmem:s5+$0x20]  }
0x97: {  	s9 =	sadd.s32 $0xD, s9;
	v39 =	vadd.s32 $0x1, v7;
	v23 =	vshll.u32 v23, v0;
	v33 =	vmul.f32 v33, v3;
	v13 =	vld [tilespmem:s5+$0xFFFFFFC0]  }
0x98: {  	v20 =	vadd.f32 v22, v20;
	v40 =	vmov s9;
	v39 =	vbroadcast v39, $0x0;
	v7 =	vld [tilespmem:s5+$0x10]  }
0x99: {  	v40 =	vshrl.u32 v40, $0x3;
	v41 =	vadd.s32 $0x2, v23;
	v35 =	vmul.f32 v35, v4;
	v23 =	vld [tilespmem:s5+$0x70]  }
0x9a: {  	v42 =	vmov s10;
	v25 =	vmul.f32 v25, v3;
	v40 =	vshll.u32 v40, v0;
	v22 =	vld [tilespmem:s5+$0x40];
	[tilespmem:s19+$0x30] =	vst v20  }
0x9b: {  	v27 =	vmul.f32 v27, v4;
	v20 =	vadd.s32 $0x5, v40;
	v40 =	vshrl.u32 v42, $0x3;
	v43 =	vld.idx.msk [tilespmem:v15+s17+$0x0], $0xffff  }
0x9c: {  	v31 =	vadd.f32 v31, v1;
	v42 =	vbroadcast v20, $0x0;
	v40 =	vshll.u32 v40, v0;
	v1 =	vld [tilespmem:s5+$0xFFFFFF90]  }
0x9d: {  	v37 =	vshrl.u32 v37, $0x3;
	v26 =	vadd.f32 v26, v18;
	v40 =	vadd.s32 $0x7, v40;
	v20 =	vld [tilespmem:s5+$0x0]  }
0x9e: {  	v37 =	vshll.u32 v37, v0;
	v45 =	vmov s11;
	v27 =	vadd.f32 v27, v28;
	v44 =	vld.idx.msk [tilespmem:v39+s16+$0x0], $0xffff  }
0x9f: {  	v18 =	vbroadcast v38, $0x0;
	v28 =	vshll.u32 v32, v0;
	v38 =	vmul.f32 v6, v5;
	v32 =	vld.idx.msk [tilespmem:v39+s17+$0x0], $0xffff;
	[tilespmem:s19+$0x60] =	vst v26  }
0xa0: {  	v25 =	vadd.f32 v25, v34;
	v6 =	vadd.s32 $0x5, v28;
	v28 =	vshrl.u32 v45, $0x3;
	v26 =	vld [tilespmem:s5+$0xFFFFFFD0]  }
0xa1: {  	v45 =	vmul.f32 v24, v3;
	v6 =	vbroadcast v6, $0x0;
	v28 =	vshll.u32 v28, v0;
	v34 =	vld [tilespmem:s5+$0xFFFFFFA0]  }
0xa2: {  	v29 =	vshrl.u32 v29, $0x3;
	v46 =	vmov s7;
	v28 =	vadd.s32 $0x3, v28;
	v39 =	vld.idx.msk [tilespmem:v39+s18+$0x0], $0xffff;
	[tilespmem:s19+$0x40] =	vst v16  }
0xa3: {  	v38 =	vadd.f32 v38, v2;
	v16 =	vshrl.u32 v30, $0x3;
	v30 =	vbroadcast v40, $0x0;
	v24 =	vld [tilespmem:s5+$0xFFFFFF80];
	[tilespmem:s19+$0xFFFFFFF0] =	vst v25  }
0xa4: {  	v25 =	vmul.f32 v44, v5;
	v47 =	vshll.u32 v16, v0;
	v16 =	vmul.f32 v17, v4;
	v40 =	vld.idx.msk [tilespmem:v42+s18+$0x0], $0xffff  }
0xa5: {  	v37 =	vbroadcast v37, $0x0;
	v31 =	vadd.f32 v35, v31;
	v17 =	vadd.s32 $0x4, v47;
	v44 =	vld.idx.msk [tilespmem:v42+s16+$0x0], $0xffff;
	v2 =	vmovc v26  }
0xa6: {  	v21 =	vmul.f32 v21, v3;
	v35 =	vadd.f32 v10, v38;
	v17 =	vbroadcast v17, $0x0;
	v26 =	vld.idx.msk [tilespmem:v18+s16+$0x0], $0xffff  }
0xa7: {  	v27 =	vadd.f32 v45, v27;
	v38 =	vmov s8;
	v36 =	vadd.f32 v16, v36;
	v10 =	vld.idx.msk [tilespmem:v6+s17+$0x0], $0xffff  }
0xa8: {  	v31 =	vadd.f32 v33, v31;
	v38 =	vshrl.u32 v38, $0x3;
	v12 =	vadd.f32 v12, v35;
	v16 =	vld [tilespmem:s5+$0x30]  }
0xa9: {  	v33 =	vmov s6;
	v35 =	vshll.u32 v38, v0;
	v21 =	vadd.f32 v21, v36;
	v38 =	vld.idx.msk [tilespmem:v30+s16+$0x0], $0xffff;
	[tilespmem:s19+$0xFFFFFFE0] =	vst v27  }
0xaa: {  	v33 =	vshrl.u32 v33, $0x3;
	v35 =	vadd.s32 $0x6, v35;
	v36 =	vshrl.u32 v46, $0x3;
	v27 =	vld.idx.msk [tilespmem:v19+s18+$0x0], $0xffff;
	[tilespmem:s19+$0xFFFFFFD0] =	vst v12  }
0xab: {  	v33 =	vshll.u32 v33, v0;
	v36 =	vshll.u32 v36, v0;
	v12 =	vld.idx.msk [tilespmem:v19+s17+$0x0], $0xffff;
	[tilespmem:s19+$0xFFFFFFB0] =	vst v21  }
0xac: {  	v33 =	vadd.s32 $0x6, v33;
	v21 =	vmul.f32 v43, v4;
	v26 =	vmul.f32 v26, v5;
	v43 =	vld.idx.msk [tilespmem:v37+s16+$0x0], $0xffff;
	[tilespmem:s19+$0xFFFFFF90] =	vst v31;
	s19 =	smov.u32 s5  }
0xad: {  	v29 =	vshll.u32 v29, v0;
	v9 =	vshll.u32 v9, v0;
	v31 =	vld.idx.msk [tilespmem:v17+s17+$0x0], $0xffff  }
0xae: {  	v29 =	vadd.s32 $0x3, v29;
	v45 =	vadd.s32 $0x1, v9;
	v46 =	vld.idx.msk [tilespmem:v17+s16+$0x0], $0xffff  }
0xaf: {  	v38 =	vmul.f32 v38, v5;
	v47 =	vld [tilespmem:s5+$0x50]  }
0xb0: {  	v48 =	vld.idx.msk [tilespmem:v37+s17+$0x0], $0xffff  }
0xb1: {  	v41 =	vbroadcast v41, $0x0;
	v42 =	vld.idx.msk [tilespmem:v42+s17+$0x0], $0xffff  }
0xb2: {  	v28 =	vbroadcast v28, $0x0;
	v9 =	vbroadcast v33, $0x0;
	v33 =	vld.idx.msk [tilespmem:v30+s18+$0x0], $0xffff  }
0xb3: {  	v35 =	vbroadcast v35, $0x0;
	v32 =	vmul.f32 v32, v4;
	v25 =	vadd.f32 v25, v7;
	v49 =	vld.idx.msk [tilespmem:v15+s16+$0x0], $0xffff  }
0xb4: {  	v23 =	vadd.f32 v38, v23;
	v31 =	vmul.f32 v31, v4;
	v46 =	vmul.f32 v46, v5;
	v30 =	vld.idx.msk [tilespmem:v30+s17+$0x0], $0xffff  }
0xb5: {  	v36 =	vadd.s32 $0x7, v36;
	v38 =	vmul.f32 v39, v3;
	v39 =	vmul.f32 v44, v5;
	v7 =	vld [tilespmem:s5+$0xFFFFFFB0]  }
0xb6: {  	v25 =	vadd.f32 v32, v25;
	v44 =	vmul.f32 v48, v4;
	v22 =	vadd.f32 v46, v22;
	v19 =	vld.idx.msk [tilespmem:v19+s16+$0x0], $0xffff  }
0xb7: {  	v43 =	vmul.f32 v43, v5;
	v32 =	vld.idx.msk [tilespmem:v15+s18+$0x0], $0xffff;
	v15 =	vadd.f32 v39, v47;
	v39 =	vmul.f32 v42, v4  }
0xb8: {  	v27 =	vmul.f32 v27, v3;
	v25 =	vadd.f32 v38, v25;
	v22 =	vadd.f32 v31, v22;
	v38 =	vld.idx.msk [tilespmem:v28+s16+$0x0], $0xffff  }
0xb9: {  	v40 =	vmul.f32 v40, v3;
	v31 =	vmul.f32 v49, v5;
	v42 =	vld.idx.msk [tilespmem:v41+s16+$0x0], $0xffff;
	v39 =	vadd.f32 v39, v15  }
0xba: {  	v15 =	vbroadcast v36, $0x0;
	v36 =	vld.idx.msk [tilespmem:v37+s18+$0x0], $0xffff;
	[tilespmem:s5+$0x10] =	vst v25;
	v25 =	vmul.f32 v30, v4  }
0xbb: {  	v33 =	vmul.f32 v33, v3;
	v30 =	vadd.f32 v31, v34;
	v31 =	vld.idx.msk [tilespmem:v41+s17+$0x0], $0xffff;
	v34 =	vadd.f32 v40, v39  }
0xbc: {  	v12 =	vmul.f32 v12, v4;
	v19 =	vmul.f32 v19, v5;
	v37 =	vld.idx.msk [tilespmem:v35+s16+$0x0], $0xffff;
	v23 =	vadd.f32 v25, v23  }
0xbd: {  	v21 =	vadd.f32 v21, v30;
	v25 =	vmul.f32 v32, v3;
	[tilespmem:s5+$0x50] =	vst v34;
	v30 =	vld.idx.msk [tilespmem:v35+s17+$0x0], $0xffff  }
0xbe: {  	v20 =	vadd.f32 v43, v20;
	v19 =	vadd.f32 v19, v24;
	v32 =	vmul.f32 v38, v5;
	v24 =	vld.idx.msk [tilespmem:v18+s17+$0x0], $0xffff  }
0xbf: {  	v21 =	vadd.f32 v25, v21;
	v25 =	vmul.f32 v42, v5;
	v23 =	vadd.f32 v33, v23;
	v34 =	vld.idx.msk [tilespmem:v28+s17+$0x0], $0xffff  }
0xc0: {  	v20 =	vadd.f32 v44, v20;
	v12 =	vadd.f32 v12, v19;
	v33 =	vmul.f32 v36, v3;
	v19 =	vld.idx.msk [tilespmem:v9+s16+$0x0], $0xffff  }
0xc1: {  	[tilespmem:s5+$0xFFFFFFA0] =	vst v21;
	v18 =	vld.idx.msk [tilespmem:v18+s18+$0x0], $0xffff;
	v21 =	vadd.f32 v25, v14;
	v25 =	vmul.f32 v31, v4  }
0xc2: {  	v12 =	vadd.f32 v27, v12;
	v20 =	vadd.f32 v33, v20;
	v31 =	vmul.f32 v37, v5;
	v27 =	vld.idx.msk [tilespmem:v15+s16+$0x0], $0xffff  }
0xc3: {  	v13 =	vadd.f32 v26, v13;
	v14 =	vbroadcast v29, $0x0;
	v21 =	vadd.f32 v25, v21;
	v17 =	vld.idx.msk [tilespmem:v17+s18+$0x0], $0xffff;
	[tilespmem:s5+$0x70] =	vst v23  }
0xc4: {  	v23 =	vmul.f32 v24, v4;
	v26 =	vadd.f32 v31, v11;
	[tilespmem:s5+$0x0] =	vst v20;
	v20 =	vld.idx.msk [tilespmem:v41+s18+$0x0], $0xffff  }
0xc5: {  	v29 =	vmul.f32 v34, v4;
	[tilespmem:s5+$0xFFFFFF80] =	vst v12;
	v12 =	vld.idx.msk [tilespmem:v6+s18+$0x0], $0xffff  }
0xc6: {  	v10 =	vmul.f32 v10, v4;
	v25 =	vadd.f32 v23, v13;
	v19 =	vmul.f32 v19, v5;
	v28 =	vld.idx.msk [tilespmem:v28+s18+$0x0], $0xffff  }
0xc7: {  	v18 =	vmul.f32 v18, v3;
	v13 =	vld [tilespmem:s5+$0xFFFFFFE0]  }
.Ltmp0:
0xc8: {  	v11 =	vbroadcast v45, $0x0;
	v27 =	vmul.f32 v27, v5;
	v23 =	vld.idx.msk [tilespmem:v35+s18+$0x0], $0xffff;
	(pc) =	sbr.rel @p1 .LBB2_2-.Ltmp0, $4  }
0xc9: {  	v30 =	vmul.f32 v30, v4;
	v18 =	vadd.f32 v18, v25;
	v17 =	vmul.f32 v17, v3;
	v24 =	vld.idx.msk [tilespmem:v14+s16+$0x0], $0xffff  }
0xca: {  	v8 =	vadd.f32 v27, v8;
	v20 =	vmul.f32 v20, v3;
	v27 =	vadd.f32 v32, v16;
	v25 =	vld.idx.msk [tilespmem:v15+s17+$0x0], $0xffff  }
0xcb: {  	v12 =	vmul.f32 v12, v3;
	v16 =	vadd.f32 v17, v22;
	[tilespmem:s5+$0xFFFFFFC0] =	vst v18;
	v18 =	vadd.f32 v30, v26  }
0xcc: {  	v26 =	vadd.f32 v20, v21;
	v20 =	vadd.f32 v29, v27;
	v22 =	vmul.f32 v28, v3;
	s5 =	sadd.s32 $0x100, s5;
	v17 =	vld.idx.msk [tilespmem:v14+s17+$0x0], $0xffff  }
0xcd: {  	_ =	sdelay $0x3  }
0xce: {  	v21 =	vld.idx.msk [tilespmem:v11+s16+$0x0], $0xffff  }
0xcf: {  	v6 =	vld.idx.msk [tilespmem:v6+s16+$0x0], $0xffff  }
0xd0: {  	v27 =	vld.idx.msk [tilespmem:v9+s17+$0x0], $0xffff  }
0xd1: {  	v15 =	vld.idx.msk [tilespmem:v15+s18+$0x0], $0xffff  }
0xd2: {  	v53 =	vld.idx.msk [tilespmem:v9+s18+$0x0], $0xffff;
	v23 =	vmul.f32 v23, v3  }
0xd3: {  	v13 =	vadd.f32 v19, v13;
	v14 =	vld.idx.msk [tilespmem:v14+s18+$0x0], $0xffff;
	v24 =	vmul.f32 v24, v5  }
0xd4: {  	v54 =	vld.idx.msk [tilespmem:v11+s17+$0x0], $0xffff;
	v57 =	vadd.f32 v22, v20;
	v25 =	vmul.f32 v25, v4;
	v18 =	vadd.f32 v23, v18  }
0xd5: {  	v7 =	vadd.f32 v24, v7;
	v60 =	vmul.f32 v17, v4;
	v21 =	vmul.f32 v21, v5  }
0xd6: {  	v56 =	vld.idx.msk [tilespmem:v11+s18+$0x0], $0xffff;
	v8 =	vadd.f32 v25, v8;
	v55 =	vmul.f32 v6, v5;
	v58 =	vmul.f32 v27, v4  }
0xd7: {  	[tilespmem:s19+$0x40] =	vst v16;
	v15 =	vmul.f32 v15, v3;
	v9 =	vmul.f32 v53, v3;
	v7 =	vadd.f32 v60, v7  }
0xd8: {  	[tilespmem:s19+$0x20] =	vst v26;
	v62 =	vmul.f32 v14, v3;
	v1 =	vadd.f32 v21, v1;
	v2 =	vadd.f32 v55, v2  }
0xd9: {  	[tilespmem:s19+$0x30] =	vst v57;
	v61 =	vmul.f32 v54, v4;
	v59 =	vadd.f32 v58, v13;
	v8 =	vadd.f32 v15, v8  }
0xda: {  	[tilespmem:s19+$0x60] =	vst v18;
	v63 =	vadd.f32 v62, v7;
	v2 =	vadd.f32 v10, v2  }
0xdb: {  	v3 =	vmul.f32 v56, v3;
	v5 =	vadd.f32 v9, v59;
	[tilespmem:s19+$0xFFFFFFF0] =	vst v8;
	v1 =	vadd.f32 v61, v1  }
0xdc: {  	[tilespmem:s19+$0xFFFFFFB0] =	vst v63;
	v2 =	vadd.f32 v12, v2  }
0xdd: {  	[tilespmem:s19+$0xFFFFFFE0] =	vst v5;
	v1 =	vadd.f32 v3, v1  }
0xde: {  	[tilespmem:s19+$0xFFFFFFD0] =	vst v2  }
0xdf: {  	s2 =	sadd.s32 $0x1, s2;
	[tilespmem:s19+$0xFFFFFF90] =	vst v1  }
0xe0: {  	[hbm4b:s13+s3] =	stream.linear.scatter [tilespmem:s25], [sflag:$0x9], $0x2000, $0x38;
	[tilespmem:$0x4E40] =	vst v63  }
0xe1: {  	p1 =	sne.s32 s2, s14;
	_ =	swait.ge [sflag:s1], $0x2000  }
.Ltmp1:
0xe2: {  	[sflag:s1] =	ssyncset.done $0x0;
	(pc) =	sbr.rel @p1 .LBB2_1-.Ltmp1, $4  }
0xe3: {  	[sflag:s1] =	ssyncadd.s32 $0xFFFFE000  }
0xe4: {  	_ =	swait.ge [sflag:s1], $0x2000  }
0xe5: {  	[sflag:s1] =	ssyncset.done $0x0  }
0xe6: {  	[sflag:s1] =	ssyncadd.s32 $0xFFFFE000  }
0xe7: {  	_ =	sfence.sel $0x180000  }
0xe8: {  	[bflag:$0x0] =	sbarrier.arrive $0xFFFF  }
0xe9: {  	_ =	strace $0x90000047  }
0xea: {  	[bflag:$0x2] =	sbarrier.arrive $0xFFFF  }
0xeb: {  	s0 =	rddreg [dreg:$0x9]  }
0xec: {  	s0 =	sadd.s32 @!p0 $0x100000, s0  }
0xed: {  	[sflag:s0] =	ssyncadd.tile.s32 @!p0 $0x1;
	_ =	shalt  }
.Lfunc_end2:
_tile_overlayer_lowered:
.L_overlay_start_2:
0xee: {  	(tag) =	ssettag $0x2  }
0xef: {  	s0 =	rddreg [dreg:$0x0];
	s2 =	stileid.u32  }
0xf0: {  	s1 =	rddreg [dreg:$0x1];
	p0 =	sne.s32 s2, $0x0  }
0xf1: {  	s3 =	rddreg [dreg:$0x2];
	[bflag:$0x3] =	sbarrier.arrive $0xFFFF;
	s2 =	simm.s32 @!p0 $0x1C0C  }
0xf2: {  	[timem:s3], [sflag:s2] =	dma.local @!p0 [hbm:s0], s1  }
0xf3: {  	s0 =	simm.s32 @!p0 $0xC  }
0xf4: {  	_ =	swait.ge @!p0 [sflag:s0], s1  }
0xf5: {  	s1 =	ssub.s32 @!p0 $0x0, s1;
	[sflag:s0] =	ssyncset.done @!p0 $0x0  }
0xf6: {  	[sflag:s0] =	ssyncadd.s32 @!p0 s1  }
0xf7: {  	[bflag:$0x3] =	sbarrier.arrive $0xFFFF  }
0xf8: {  	_ =	shalt  }

</sc_bundles>
